<compile_context>
chip_gen: v7x
topology: tpu7x:2x2x1
jax: 0.10.2.dev20260603
libtpu: 0.0.44.dev20260713+nightly
codegen_flags: <defaults>
</compile_context>

<pallas_src>
import jax
import jax.numpy as jnp
from jax import lax
from jax.experimental import pallas as pl
from jax.experimental.pallas import tpu as pltpu
from jax.experimental.pallas import tpu_sc as plsc

N = 10000
E = 160000
D = 256
DH = 128
NP = 10240
ECH = 128
EP = 163840
DPAD = N
SPAD = 0
NSUB = 16
RPT = NP // NSUB
NCHT = EP // ECH // NSUB
NCHD = EP // ECH // (2 * NSUB)
NBUF = 6
BN = 400

_mesh = plsc.VectorSubcoreMesh(
    core_axis_name="c", subcore_axis_name="s", num_cores=2, num_subcores=NSUB
)


def _deg_body(dst2d, ones16, z16, degp, dst_buf, ones_v, acc):
    cid = lax.axis_index("c")
    sid = lax.axis_index("s")
    wid = cid * NSUB + sid
    pltpu.sync_copy(z16, acc.at[pl.ds(sid * RPT, RPT)])
    pltpu.sync_copy(ones16, ones_v)
    pltpu.sync_copy(dst2d.at[pl.ds(wid * NCHD, NCHD)], dst_buf)
    plsc.subcore_barrier()

    @pl.loop(0, NCHD)
    def _(i):
        pltpu.sync_copy(ones_v, acc.at[dst_buf.at[i]], add=True)

    plsc.subcore_barrier()
    pltpu.sync_copy(
        acc.at[pl.ds(sid * RPT, RPT)], degp.at[cid, pl.ds(sid * RPT, RPT)]
    )


_deg_call = pl.kernel(
    _deg_body,
    out_type=jax.ShapeDtypeStruct((2, NP, 16), jnp.float32),
    mesh=_mesh,
    scratch_types=[
        pltpu.VMEM((NCHD, ECH), jnp.int32),
        pltpu.VMEM((ECH, 16), jnp.float32),
        pltpu.VMEM_SHARED((NP, 16), jnp.float32),
    ],
    compiler_params=pltpu.CompilerParams(use_tc_tiling_on_sc=False),
)


def _seg_body(g0, g1, src2d, dst2d, zrows, s0, s1,
              src_buf, dst_buf, data, acc, gsem, ssem):
    cid = lax.axis_index("c")
    sid = lax.axis_index("s")
    base = sid * NCHT
    pltpu.sync_copy(src2d.at[pl.ds(base, NCHT)], src_buf)
    pltpu.sync_copy(dst2d.at[pl.ds(base, NCHT)], dst_buf)

    def run(g, s):
        pltpu.sync_copy(zrows, acc.at[pl.ds(sid * RPT, RPT)])
        plsc.subcore_barrier()

        def gath(i):
            pltpu.async_copy(
                g.at[src_buf.at[0]], data.at[lax.rem(i, NBUF)], gsem
            )

        def wait_gath(i):
            pltpu.make_async_copy(
                g.at[src_buf.at[i]], data.at[lax.rem(i, NBUF)], gsem
            ).wait()

        def scat(i):
            pltpu.async_copy(
                data.at[lax.rem(i, NBUF)], acc.at[dst_buf.at[i]], ssem,
                add=True,
            )

        def wait_scat(i):
            pltpu.make_async_copy(
                data.at[lax.rem(i, NBUF)], acc.at[dst_buf.at[i]], ssem
            ).wait()

        for b in range(NBUF):
            gath(b)

        @pl.loop(0, NCHT)
        def _(i):
            wait_gath(i)
            scat(i)

            @pl.when(i >= 2)
            def _():
                wait_scat(i - 2)

                @pl.when(i + NBUF - 2 < NCHT)
                def _():
                    gath(i + NBUF - 2)

        @pl.loop(NCHT - 2, NCHT)
        def _(i):
            wait_scat(i)

        plsc.subcore_barrier()
        pltpu.sync_copy(
            acc.at[pl.ds(sid * RPT, RPT)], s.at[pl.ds(sid * RPT, RPT)]
        )

    @pl.when(cid == 0)
    def _():
        run(g0, s0)

    @pl.when(cid == 1)
    def _():
        run(g1, s1)


_seg_call = pl.kernel(
    _seg_body,
    out_type=(jax.ShapeDtypeStruct((NP, DH), jnp.bfloat16),) * 2,
    mesh=_mesh,
    scratch_types=[
        pltpu.VMEM((NCHT, ECH), jnp.int32),
        pltpu.VMEM((NCHT, ECH), jnp.int32),
        pltpu.VMEM((NBUF, ECH, DH), jnp.bfloat16),
        pltpu.VMEM_SHARED((NP, DH), jnp.bfloat16),
        pltpu.SemaphoreType.DMA,
        pltpu.SemaphoreType.DMA,
    ],
    compiler_params=pltpu.CompilerParams(use_tc_tiling_on_sc=False),
)


def _dinv_of(degp_ref):
    deg = 1.0 + degp_ref[0][:, 0:1] + degp_ref[1][:, 0:1]
    return lax.rsqrt(deg)


def _tc1_body(x_ref, w_ref, degp_ref, g0_ref, g1_ref):
    dinv = _dinv_of(degp_ref)
    h = jnp.dot(x_ref[...], w_ref[...], preferred_element_type=jnp.float32)
    g = (h * dinv).astype(jnp.bfloat16)
    g0_ref[...] = g[:, :DH]
    g1_ref[...] = g[:, DH:]


def _tc2_body(s0, s1, g0, g1, degp_ref, b_ref, w_ref, g20_ref, g21_ref):
    dinv = _dinv_of(degp_ref)
    s = jnp.concatenate([s0[...], s1[...]], axis=1).astype(jnp.float32)
    g = jnp.concatenate([g0[...], g1[...]], axis=1).astype(jnp.float32)
    a = jnp.maximum((s + g) * dinv + b_ref[...], 0.0)
    h = jnp.dot(a, w_ref[...], preferred_element_type=jnp.float32)
    gg = (h * dinv).astype(jnp.bfloat16)
    g20_ref[...] = gg[:, :DH]
    g21_ref[...] = gg[:, DH:]


def _tc3_body(s0, s1, g0, g1, degp_ref, b_ref, x_ref, out_ref):
    dinv = _dinv_of(degp_ref)
    s = jnp.concatenate([s0[...], s1[...]], axis=1).astype(jnp.float32)
    g = jnp.concatenate([g0[...], g1[...]], axis=1).astype(jnp.float32)
    out_ref[...] = (s + g) * dinv + b_ref[...] + x_ref[...]


_h_spec = pl.BlockSpec((BN, DH), lambda i: (i, 0))
_full_spec = pl.BlockSpec((BN, D), lambda i: (i, 0))
_w_spec = pl.BlockSpec((D, D), lambda i: (0, 0))
_degp_spec = pl.BlockSpec((2, BN, 16), lambda i: (0, i, 0))
_b_spec = pl.BlockSpec((1, D), lambda i: (0, 0))

_tc1_call = pl.pallas_call(
    _tc1_body,
    grid=(N // BN,),
    in_specs=[_full_spec, _w_spec, _degp_spec],
    out_specs=[_h_spec] * 2,
    out_shape=[jax.ShapeDtypeStruct((N, DH), jnp.bfloat16)] * 2,
)

_tc2_call = pl.pallas_call(
    _tc2_body,
    grid=(N // BN,),
    in_specs=[_h_spec] * 4 + [_degp_spec, _b_spec, _w_spec],
    out_specs=[_h_spec] * 2,
    out_shape=[jax.ShapeDtypeStruct((N, DH), jnp.bfloat16)] * 2,
)

_tc3_call = pl.pallas_call(
    _tc3_body,
    grid=(N // BN,),
    in_specs=[_h_spec] * 4 + [_degp_spec, _b_spec, _full_spec],
    out_specs=_full_spec,
    out_shape=jax.ShapeDtypeStruct((N, D), jnp.float32),
)


def kernel(x, edge_index, W1, b1, W2, b2):
    src = edge_index[0]
    dst = edge_index[1]
    spad = jnp.full((EP - E,), SPAD, dtype=jnp.int32)
    dpad = jnp.full((EP - E,), DPAD, dtype=jnp.int32)
    src2d = jnp.concatenate([src, spad]).reshape(EP // ECH, ECH)
    dst2d = jnp.concatenate([dst, dpad]).reshape(EP // ECH, ECH)
    w1t = W1.T
    w2t = W2.T
    zrows = jnp.zeros((RPT, DH), jnp.bfloat16)
    z16 = jnp.zeros((RPT, 16), jnp.float32)
    ones16 = jnp.zeros((ECH, 16), jnp.float32).at[:, 0].set(1.0)

    degp = _deg_call(dst2d, ones16, z16)
    gs = _tc1_call(x, w1t, degp)
    ss = _seg_call(*gs, src2d, dst2d, zrows)
    g2s = _tc2_call(*ss, *gs, degp, b1.reshape(1, D), w2t)
    s2s = _seg_call(*g2s, src2d, dst2d, zrows)
    return _tc3_call(*s2s, *g2s, degp, b2.reshape(1, D), x)

# --- scband reference (transcript-rebuilt; emitter-appended) ---
"""Pipeline reference for scband-layer-gcn-32040456028633 (READ-ONLY COPY).

The authoritative reference and input builder live on the scoring server;
editing this copy changes nothing except your own understanding.
"""

import jax, jax.numpy as jnp
import numpy as np

N = 10000
E = 160000
D = 256


def setup_inputs(seed: int = 0) -> dict:
    key = jax.random.key(seed)
    ks = jax.random.split(key, 6)
    x = jax.random.normal(ks[0], (N, D), dtype=jnp.float32)
    edge_index = jax.random.randint(ks[1], (2, E), 0, N, dtype=jnp.int32)
    scale = 1.0 / np.sqrt(D)
    W1 = jax.random.normal(ks[2], (D, D), dtype=jnp.float32) * scale
    b1 = jnp.zeros((D,), dtype=jnp.float32)
    W2 = jax.random.normal(ks[3], (D, D), dtype=jnp.float32) * scale
    b2 = jnp.zeros((D,), dtype=jnp.float32)
    return {"x": x, "edge_index": edge_index, "W1": W1, "b1": b1, "W2": W2, "b2": b2}


def gcn_conv(x, edge_index, W, b):
    # PyG GCNConv with add_self_loops=True, symmetric normalization
    n = x.shape[0]
    loop = jnp.arange(n, dtype=edge_index.dtype)
    src = jnp.concatenate([edge_index[0], loop])
    dst = jnp.concatenate([edge_index[1], loop])
    deg = jnp.zeros((n,), dtype=x.dtype).at[dst].add(1.0)
    deg_inv_sqrt = jnp.where(deg > 0, 1.0 / jnp.sqrt(deg), 0.0)
    norm = deg_inv_sqrt[src] * deg_inv_sqrt[dst]
    h = x @ W.T  # linear transform (no bias inside lin)
    msg = h[src] * norm[:, None]  # gather + scale
    out = jnp.zeros_like(h).at[dst].add(msg)  # scatter-add aggregation
    return out + b


def reference(x, edge_index, W1, b1, W2, b2):
    out = gcn_conv(x, edge_index, W1, b1)
    # gcnLayerNum == 2 branch: relu then leaky_relu(0.1) then conv2
    out = jax.nn.relu(out)
    out = jnp.where(out > 0, out, 0.1 * out)  # LeakyReLU(0.1)
    out = gcn_conv(out, edge_index, W2, b2)
    # residual=True
    out = out + x
    return out

if __name__ == "__main__":
    import jax
    _d = setup_inputs()
    print(jax.jit(kernel)(*tuple(_d.values())))

</pallas_src>

<mosaic_0001>
#map = affine_map<(d0, d1) -> (0, 0)>
#map1 = affine_map<(d0, d1) -> (0, 0, 0)>
module attributes {stable_mosaic.version = 14 : i64} {
  func.func @_deg_body(%arg0: i32, %arg1: i32, %arg2: memref<1280x128xi32, #tpu.memory_space<hbm>>, %arg3: memref<128x16xf32, #tpu.memory_space<hbm>>, %arg4: memref<640x16xf32, #tpu.memory_space<hbm>>, %arg5: memref<2x10240x16xf32, #tpu.memory_space<hbm>>, %arg6: memref<40x128xi32, #tpu.memory_space<vmem>>, %arg7: memref<128x16xf32, #tpu.memory_space<vmem>>, %arg8: memref<10240x16xf32, #tpu.memory_space<vmem_shared>>) attributes {dimension_semantics = [#tpu.dimension_semantics<core_parallel>, #tpu.dimension_semantics<subcore_parallel>], iteration_bounds = array<i64: 2, 16>, scalar_prefetch = 0 : i64, scratch_operands = 3 : i64, tpu.core_type = #tpu.core_type<sc_vector_subcore>, window_params = [{transform_indices = #map}, {transform_indices = #map}, {transform_indices = #map}, {transform_indices = #map1}]} {
    %mul3A = arith.constant 16 : i32
    %mul3A_0 = arith.muli %arg0, %mul3A : i32
    %add3A = arith.addi %mul3A_0, %arg1 : i32
    %mul3A_1 = arith.constant 640 : i32
    %mul3A_2 = arith.muli %arg1, %mul3A_1 : i32
    "tpu.region"() ({
      %run_scoped3A = tpu.sem_alloc : memref<!tpu.dma_semaphore, #tpu.memory_space<semaphore_mem>>
      %dma_start3A = arith.constant 0 : i32
      %dma_start3A_14 = tpu.memref_slice %arg8[%mul3A_2, %dma_start3A] : memref<10240x16xf32, #tpu.memory_space<vmem_shared>> -> memref<640x16xf32, #tpu.memory_space<vmem_shared>>
      tpu.enqueue_dma source(%arg4 : memref<640x16xf32, #tpu.memory_space<hbm>>) target(%dma_start3A_14 : memref<640x16xf32, #tpu.memory_space<vmem_shared>>) target_semaphore(%run_scoped3A : memref<!tpu.dma_semaphore, #tpu.memory_space<semaphore_mem>>)
      %dma_wait3A = arith.constant 0 : i32
      %dma_wait3A_15 = tpu.memref_slice %arg8[%mul3A_2, %dma_wait3A] : memref<10240x16xf32, #tpu.memory_space<vmem_shared>> -> memref<640x16xf32, #tpu.memory_space<vmem_shared>>
      tpu.wait_dma2 semaphore(%run_scoped3A : memref<!tpu.dma_semaphore, #tpu.memory_space<semaphore_mem>>) src(%arg4 : memref<640x16xf32, #tpu.memory_space<hbm>>) dst(%dma_wait3A_15 : memref<640x16xf32, #tpu.memory_space<vmem_shared>>)
      tpu.yield
    }) : () -> ()
    "tpu.region"() ({
      %run_scoped3A = tpu.sem_alloc : memref<!tpu.dma_semaphore, #tpu.memory_space<semaphore_mem>>
      tpu.enqueue_dma source(%arg3 : memref<128x16xf32, #tpu.memory_space<hbm>>) target(%arg7 : memref<128x16xf32, #tpu.memory_space<vmem>>) target_semaphore(%run_scoped3A : memref<!tpu.dma_semaphore, #tpu.memory_space<semaphore_mem>>)
      tpu.wait_dma2 semaphore(%run_scoped3A : memref<!tpu.dma_semaphore, #tpu.memory_space<semaphore_mem>>) src(%arg3 : memref<128x16xf32, #tpu.memory_space<hbm>>) dst(%arg7 : memref<128x16xf32, #tpu.memory_space<vmem>>)
      tpu.yield
    }) : () -> ()
    %mul3A_3 = arith.constant 40 : i32
    %mul3A_4 = arith.muli %add3A, %mul3A_3 : i32
    "tpu.region"() ({
      %run_scoped3A = tpu.sem_alloc : memref<!tpu.dma_semaphore, #tpu.memory_space<semaphore_mem>>
      %dma_start3A = arith.constant 0 : i32
      %dma_start3A_14 = tpu.memref_slice %arg2[%mul3A_4, %dma_start3A] : memref<1280x128xi32, #tpu.memory_space<hbm>> -> memref<40x128xi32, #tpu.memory_space<hbm>>
      %dma_start3A_15 = arith.constant 0 : i32
      %dma_start3A_16 = tpu.memref_slice %arg2[%mul3A_4, %dma_start3A_15] : memref<1280x128xi32, #tpu.memory_space<hbm>> -> memref<40x128xi32, #tpu.memory_space<hbm>>
      tpu.enqueue_dma source(%dma_start3A_16 : memref<40x128xi32, #tpu.memory_space<hbm>>) target(%arg6 : memref<40x128xi32, #tpu.memory_space<vmem>>) target_semaphore(%run_scoped3A : memref<!tpu.dma_semaphore, #tpu.memory_space<semaphore_mem>>)
      %dma_wait3A = arith.constant 0 : i32
      %dma_wait3A_17 = tpu.memref_slice %arg2[%mul3A_4, %dma_wait3A] : memref<1280x128xi32, #tpu.memory_space<hbm>> -> memref<40x128xi32, #tpu.memory_space<hbm>>
      %dma_wait3A_18 = arith.constant 0 : i32
      %dma_wait3A_19 = tpu.memref_slice %arg2[%mul3A_4, %dma_wait3A_18] : memref<1280x128xi32, #tpu.memory_space<hbm>> -> memref<40x128xi32, #tpu.memory_space<hbm>>
      tpu.wait_dma2 semaphore(%run_scoped3A : memref<!tpu.dma_semaphore, #tpu.memory_space<semaphore_mem>>) src(%dma_wait3A_19 : memref<40x128xi32, #tpu.memory_space<hbm>>) dst(%arg6 : memref<40x128xi32, #tpu.memory_space<vmem>>)
      tpu.yield
    }) : () -> ()
    %barrier3A = arith.constant 0 : index
    tpu.barrier barrier_id(%barrier3A)
    %scan3A = arith.constant 0 : i32
    %scan3A_5 = arith.constant 40 : i32
    %scan3A_6 = arith.addi %scan3A, %scan3A_5 : i32
    %scan3A_7 = arith.constant 1 : i32
    scf.for %scan3A_14 = %scan3A to %scan3A_6 step %scan3A_7  : i32 {
      %mul3A_15 = arith.constant 1 : i32
      %mul3A_16 = arith.muli %scan3A_14, %mul3A_15 : i32
      %add3A_17 = arith.constant 0 : i32
      %add3A_18 = arith.addi %add3A_17, %mul3A_16 : i32
      "tpu.region"() ({
        %run_scoped3A = tpu.sem_alloc : memref<!tpu.dma_semaphore, #tpu.memory_space<semaphore_mem>>
        %dma_start3A = arith.constant 0 : i32
        %dma_start3A_19 = tpu.memref_slice %arg6[%add3A_18, %dma_start3A] : memref<40x128xi32, #tpu.memory_space<vmem>> -> memref<1x128xi32, #tpu.memory_space<vmem>>
        %dma_start3A_20 = tpu.memref_squeeze %dma_start3A_19 : memref<1x128xi32, #tpu.memory_space<vmem>> -> memref<128xi32, #tpu.memory_space<vmem>>
        %dma_start3A_21 = arith.constant 0 : i32
        %dma_start3A_22 = arith.constant 0 : i32
        %dma_start3A_23 = tpu.memref_slice %arg8[%dma_start3A_21, %dma_start3A_22] : memref<10240x16xf32, #tpu.memory_space<vmem_shared>> -> memref<10240x16xf32, #tpu.memory_space<vmem_shared>>
        tpu.enqueue_indirect_dma source(%arg7 : memref<128x16xf32, #tpu.memory_space<vmem>>) target(%dma_start3A_23 : memref<10240x16xf32, #tpu.memory_space<vmem_shared>>) offsets(%dma_start3A_20 : memref<128xi32, #tpu.memory_space<vmem>>) semaphore(%run_scoped3A : memref<!tpu.dma_semaphore, #tpu.memory_space<semaphore_mem>>) {add = true}
        %dma_wait3A = arith.constant 0 : i32
        %dma_wait3A_24 = tpu.memref_slice %arg6[%add3A_18, %dma_wait3A] : memref<40x128xi32, #tpu.memory_space<vmem>> -> memref<1x128xi32, #tpu.memory_space<vmem>>
        %dma_wait3A_25 = tpu.memref_squeeze %dma_wait3A_24 : memref<1x128xi32, #tpu.memory_space<vmem>> -> memref<128xi32, #tpu.memory_space<vmem>>
        %dma_wait3A_26 = arith.constant 0 : i32
        %dma_wait3A_27 = arith.constant 0 : i32
        %dma_wait3A_28 = tpu.memref_slice %arg8[%dma_wait3A_26, %dma_wait3A_27] : memref<10240x16xf32, #tpu.memory_space<vmem_shared>> -> memref<10240x16xf32, #tpu.memory_space<vmem_shared>>
        tpu.wait_indirect_dma semaphore(%run_scoped3A : memref<!tpu.dma_semaphore, #tpu.memory_space<semaphore_mem>>) src(%arg7 : memref<128x16xf32, #tpu.memory_space<vmem>>) dst(%dma_wait3A_28 : memref<10240x16xf32, #tpu.memory_space<vmem_shared>>)
        tpu.yield
      }) : () -> ()
    }
    %scan3A_8 = arith.constant 40 : i32
    %barrier3A_9 = arith.constant 0 : index
    tpu.barrier barrier_id(%barrier3A_9)
    %mul3A_10 = arith.constant 640 : i32
    %mul3A_11 = arith.muli %arg1, %mul3A_10 : i32
    %mul3A_12 = arith.constant 640 : i32
    %mul3A_13 = arith.muli %arg1, %mul3A_12 : i32
    "tpu.region"() ({
      %run_scoped3A = tpu.sem_alloc : memref<!tpu.dma_semaphore, #tpu.memory_space<semaphore_mem>>
      %dma_start3A = arith.constant 0 : i32
      %dma_start3A_14 = tpu.memref_slice %arg5[%arg0, %mul3A_13, %dma_start3A] : memref<2x10240x16xf32, #tpu.memory_space<hbm>> -> memref<1x640x16xf32, #tpu.memory_space<hbm>>
      %dma_start3A_15 = tpu.memref_squeeze %dma_start3A_14 : memref<1x640x16xf32, #tpu.memory_space<hbm>> -> memref<640x16xf32, #tpu.memory_space<hbm>>
      %dma_start3A_16 = arith.constant 0 : i32
      %dma_start3A_17 = tpu.memref_slice %arg8[%mul3A_11, %dma_start3A_16] : memref<10240x16xf32, #tpu.memory_space<vmem_shared>> -> memref<640x16xf32, #tpu.memory_space<vmem_shared>>
      tpu.enqueue_dma source(%dma_start3A_17 : memref<640x16xf32, #tpu.memory_space<vmem_shared>>) target(%dma_start3A_15 : memref<640x16xf32, #tpu.memory_space<hbm>>) target_semaphore(%run_scoped3A : memref<!tpu.dma_semaphore, #tpu.memory_space<semaphore_mem>>)
      %dma_wait3A = arith.constant 0 : i32
      %dma_wait3A_18 = tpu.memref_slice %arg5[%arg0, %mul3A_13, %dma_wait3A] : memref<2x10240x16xf32, #tpu.memory_space<hbm>> -> memref<1x640x16xf32, #tpu.memory_space<hbm>>
      %dma_wait3A_19 = tpu.memref_squeeze %dma_wait3A_18 : memref<1x640x16xf32, #tpu.memory_space<hbm>> -> memref<640x16xf32, #tpu.memory_space<hbm>>
      %dma_wait3A_20 = arith.constant 0 : i32
      %dma_wait3A_21 = tpu.memref_slice %arg8[%mul3A_11, %dma_wait3A_20] : memref<10240x16xf32, #tpu.memory_space<vmem_shared>> -> memref<640x16xf32, #tpu.memory_space<vmem_shared>>
      tpu.wait_dma2 semaphore(%run_scoped3A : memref<!tpu.dma_semaphore, #tpu.memory_space<semaphore_mem>>) src(%dma_wait3A_21 : memref<640x16xf32, #tpu.memory_space<vmem_shared>>) dst(%dma_wait3A_19 : memref<640x16xf32, #tpu.memory_space<hbm>>)
      tpu.yield
    }) : () -> ()
    return
  }
}

#map = affine_map<(d0, d1) -> (0, 0)>
module attributes {stable_mosaic.version = 14 : i64} {
  func.func @_seg_body(%arg0: i32, %arg1: i32, %arg2: memref<10000x128xbf16, #tpu.memory_space<hbm>>, %arg3: memref<10000x128xbf16, #tpu.memory_space<hbm>>, %arg4: memref<1280x128xi32, #tpu.memory_space<hbm>>, %arg5: memref<1280x128xi32, #tpu.memory_space<hbm>>, %arg6: memref<640x128xbf16, #tpu.memory_space<hbm>>, %arg7: memref<10240x128xbf16, #tpu.memory_space<hbm>>, %arg8: memref<10240x128xbf16, #tpu.memory_space<hbm>>, %arg9: memref<80x128xi32, #tpu.memory_space<vmem>>, %arg10: memref<80x128xi32, #tpu.memory_space<vmem>>, %arg11: memref<6x128x128xbf16, #tpu.memory_space<vmem>>, %arg12: memref<10240x128xbf16, #tpu.memory_space<vmem_shared>>, %arg13: memref<!tpu.dma_semaphore, #tpu.memory_space<semaphore_mem>>, %arg14: memref<!tpu.dma_semaphore, #tpu.memory_space<semaphore_mem>>) attributes {dimension_semantics = [#tpu.dimension_semantics<core_parallel>, #tpu.dimension_semantics<subcore_parallel>], iteration_bounds = array<i64: 2, 16>, scalar_prefetch = 0 : i64, scratch_operands = 6 : i64, tpu.core_type = #tpu.core_type<sc_vector_subcore>, window_params = [{transform_indices = #map}, {transform_indices = #map}, {transform_indices = #map}, {transform_indices = #map}, {transform_indices = #map}, {transform_indices = #map}, {transform_indices = #map}]} {
    %mul3A = arith.constant 80 : i32
    %mul3A_0 = arith.muli %arg1, %mul3A : i32
    "tpu.region"() ({
      %run_scoped3A = tpu.sem_alloc : memref<!tpu.dma_semaphore, #tpu.memory_space<semaphore_mem>>
      %dma_start3A = arith.constant 0 : i32
      %dma_start3A_8 = tpu.memref_slice %arg4[%mul3A_0, %dma_start3A] : memref<1280x128xi32, #tpu.memory_space<hbm>> -> memref<80x128xi32, #tpu.memory_space<hbm>>
      %dma_start3A_9 = arith.constant 0 : i32
      %dma_start3A_10 = tpu.memref_slice %arg4[%mul3A_0, %dma_start3A_9] : memref<1280x128xi32, #tpu.memory_space<hbm>> -> memref<80x128xi32, #tpu.memory_space<hbm>>
      tpu.enqueue_dma source(%dma_start3A_10 : memref<80x128xi32, #tpu.memory_space<hbm>>) target(%arg9 : memref<80x128xi32, #tpu.memory_space<vmem>>) target_semaphore(%run_scoped3A : memref<!tpu.dma_semaphore, #tpu.memory_space<semaphore_mem>>)
      %dma_wait3A = arith.constant 0 : i32
      %dma_wait3A_11 = tpu.memref_slice %arg4[%mul3A_0, %dma_wait3A] : memref<1280x128xi32, #tpu.memory_space<hbm>> -> memref<80x128xi32, #tpu.memory_space<hbm>>
      %dma_wait3A_12 = arith.constant 0 : i32
      %dma_wait3A_13 = tpu.memref_slice %arg4[%mul3A_0, %dma_wait3A_12] : memref<1280x128xi32, #tpu.memory_space<hbm>> -> memref<80x128xi32, #tpu.memory_space<hbm>>
      tpu.wait_dma2 semaphore(%run_scoped3A : memref<!tpu.dma_semaphore, #tpu.memory_space<semaphore_mem>>) src(%dma_wait3A_13 : memref<80x128xi32, #tpu.memory_space<hbm>>) dst(%arg9 : memref<80x128xi32, #tpu.memory_space<vmem>>)
      tpu.yield
    }) : () -> ()
    "tpu.region"() ({
      %run_scoped3A = tpu.sem_alloc : memref<!tpu.dma_semaphore, #tpu.memory_space<semaphore_mem>>
      %dma_start3A = arith.constant 0 : i32
      %dma_start3A_8 = tpu.memref_slice %arg5[%mul3A_0, %dma_start3A] : memref<1280x128xi32, #tpu.memory_space<hbm>> -> memref<80x128xi32, #tpu.memory_space<hbm>>
      %dma_start3A_9 = arith.constant 0 : i32
      %dma_start3A_10 = tpu.memref_slice %arg5[%mul3A_0, %dma_start3A_9] : memref<1280x128xi32, #tpu.memory_space<hbm>> -> memref<80x128xi32, #tpu.memory_space<hbm>>
      tpu.enqueue_dma source(%dma_start3A_10 : memref<80x128xi32, #tpu.memory_space<hbm>>) target(%arg10 : memref<80x128xi32, #tpu.memory_space<vmem>>) target_semaphore(%run_scoped3A : memref<!tpu.dma_semaphore, #tpu.memory_space<semaphore_mem>>)
      %dma_wait3A = arith.constant 0 : i32
      %dma_wait3A_11 = tpu.memref_slice %arg5[%mul3A_0, %dma_wait3A] : memref<1280x128xi32, #tpu.memory_space<hbm>> -> memref<80x128xi32, #tpu.memory_space<hbm>>
      %dma_wait3A_12 = arith.constant 0 : i32
      %dma_wait3A_13 = tpu.memref_slice %arg5[%mul3A_0, %dma_wait3A_12] : memref<1280x128xi32, #tpu.memory_space<hbm>> -> memref<80x128xi32, #tpu.memory_space<hbm>>
      tpu.wait_dma2 semaphore(%run_scoped3A : memref<!tpu.dma_semaphore, #tpu.memory_space<semaphore_mem>>) src(%dma_wait3A_13 : memref<80x128xi32, #tpu.memory_space<hbm>>) dst(%arg10 : memref<80x128xi32, #tpu.memory_space<vmem>>)
      tpu.yield
    }) : () -> ()
    %eq3A = arith.constant 0 : i32
    %eq3A_1 = arith.cmpi eq, %arg0, %eq3A : i32
    %convert_element_type3A = arith.extui %eq3A_1 : i1 to i32
    %cond3A = arith.constant 0 : i32
    %cond3A_2 = arith.cmpi ne, %convert_element_type3A, %cond3A : i32
    scf.if %cond3A_2 {
      %mul3A_8 = arith.constant 640 : i32
      %mul3A_9 = arith.muli %arg1, %mul3A_8 : i32
      "tpu.region"() ({
        %run_scoped3A = tpu.sem_alloc : memref<!tpu.dma_semaphore, #tpu.memory_space<semaphore_mem>>
        %dma_start3A_106 = arith.constant 0 : i32
        %dma_start3A_107 = tpu.memref_slice %arg12[%mul3A_9, %dma_start3A_106] : memref<10240x128xbf16, #tpu.memory_space<vmem_shared>> -> memref<640x128xbf16, #tpu.memory_space<vmem_shared>>
        tpu.enqueue_dma source(%arg6 : memref<640x128xbf16, #tpu.memory_space<hbm>>) target(%dma_start3A_107 : memref<640x128xbf16, #tpu.memory_space<vmem_shared>>) target_semaphore(%run_scoped3A : memref<!tpu.dma_semaphore, #tpu.memory_space<semaphore_mem>>)
        %dma_wait3A = arith.constant 0 : i32
        %dma_wait3A_108 = tpu.memref_slice %arg12[%mul3A_9, %dma_wait3A] : memref<10240x128xbf16, #tpu.memory_space<vmem_shared>> -> memref<640x128xbf16, #tpu.memory_space<vmem_shared>>
        tpu.wait_dma2 semaphore(%run_scoped3A : memref<!tpu.dma_semaphore, #tpu.memory_space<semaphore_mem>>) src(%arg6 : memref<640x128xbf16, #tpu.memory_space<hbm>>) dst(%dma_wait3A_108 : memref<640x128xbf16, #tpu.memory_space<vmem_shared>>)
        tpu.yield
      }) : () -> ()
      %barrier3A = arith.constant 0 : index
      tpu.barrier barrier_id(%barrier3A)
      %rem3A = arith.constant 0 : i32
      %rem3A_10 = arith.constant 6 : i32
      %rem3A_11 = arith.remsi %rem3A, %rem3A_10 : i32
      %dma_start3A = arith.constant 0 : i32
      %dma_start3A_12 = arith.constant 0 : i32
      %dma_start3A_13 = arith.constant 0 : i32
      %dma_start3A_14 = tpu.memref_slice %arg11[%rem3A_11, %dma_start3A_12, %dma_start3A_13] : memref<6x128x128xbf16, #tpu.memory_space<vmem>> -> memref<1x128x128xbf16, #tpu.memory_space<vmem>>
      %dma_start3A_15 = tpu.memref_squeeze %dma_start3A_14 : memref<1x128x128xbf16, #tpu.memory_space<vmem>> -> memref<128x128xbf16, #tpu.memory_space<vmem>>
      %dma_start3A_16 = arith.constant 0 : i32
      %dma_start3A_17 = tpu.memref_slice %arg9[%dma_start3A, %dma_start3A_16] : memref<80x128xi32, #tpu.memory_space<vmem>> -> memref<1x128xi32, #tpu.memory_space<vmem>>
      %dma_start3A_18 = tpu.memref_squeeze %dma_start3A_17 : memref<1x128xi32, #tpu.memory_space<vmem>> -> memref<128xi32, #tpu.memory_space<vmem>>
      %dma_start3A_19 = arith.constant 0 : i32
      %dma_start3A_20 = arith.constant 0 : i32
      %dma_start3A_21 = tpu.memref_slice %arg2[%dma_start3A_19, %dma_start3A_20] : memref<10000x128xbf16, #tpu.memory_space<hbm>> -> memref<10000x128xbf16, #tpu.memory_space<hbm>>
      tpu.enqueue_indirect_dma source(%dma_start3A_21 : memref<10000x128xbf16, #tpu.memory_space<hbm>>) target(%dma_start3A_15 : memref<128x128xbf16, #tpu.memory_space<vmem>>) offsets(%dma_start3A_18 : memref<128xi32, #tpu.memory_space<vmem>>) semaphore(%arg13 : memref<!tpu.dma_semaphore, #tpu.memory_space<semaphore_mem>>)
      %rem3A_22 = arith.constant 1 : i32
      %rem3A_23 = arith.constant 6 : i32
      %rem3A_24 = arith.remsi %rem3A_22, %rem3A_23 : i32
      %dma_start3A_25 = arith.constant 0 : i32
      %dma_start3A_26 = arith.constant 0 : i32
      %dma_start3A_27 = arith.constant 0 : i32
      %dma_start3A_28 = tpu.memref_slice %arg11[%rem3A_24, %dma_start3A_26, %dma_start3A_27] : memref<6x128x128xbf16, #tpu.memory_space<vmem>> -> memref<1x128x128xbf16, #tpu.memory_space<vmem>>
      %dma_start3A_29 = tpu.memref_squeeze %dma_start3A_28 : memref<1x128x128xbf16, #tpu.memory_space<vmem>> -> memref<128x128xbf16, #tpu.memory_space<vmem>>
      %dma_start3A_30 = arith.constant 0 : i32
      %dma_start3A_31 = tpu.memref_slice %arg9[%dma_start3A_25, %dma_start3A_30] : memref<80x128xi32, #tpu.memory_space<vmem>> -> memref<1x128xi32, #tpu.memory_space<vmem>>
      %dma_start3A_32 = tpu.memref_squeeze %dma_start3A_31 : memref<1x128xi32, #tpu.memory_space<vmem>> -> memref<128xi32, #tpu.memory_space<vmem>>
      %dma_start3A_33 = arith.constant 0 : i32
      %dma_start3A_34 = arith.constant 0 : i32
      %dma_start3A_35 = tpu.memref_slice %arg2[%dma_start3A_33, %dma_start3A_34] : memref<10000x128xbf16, #tpu.memory_space<hbm>> -> memref<10000x128xbf16, #tpu.memory_space<hbm>>
      tpu.enqueue_indirect_dma source(%dma_start3A_35 : memref<10000x128xbf16, #tpu.memory_space<hbm>>) target(%dma_start3A_29 : memref<128x128xbf16, #tpu.memory_space<vmem>>) offsets(%dma_start3A_32 : memref<128xi32, #tpu.memory_space<vmem>>) semaphore(%arg13 : memref<!tpu.dma_semaphore, #tpu.memory_space<semaphore_mem>>)
      %rem3A_36 = arith.constant 2 : i32
      %rem3A_37 = arith.constant 6 : i32
      %rem3A_38 = arith.remsi %rem3A_36, %rem3A_37 : i32
      %dma_start3A_39 = arith.constant 0 : i32
      %dma_start3A_40 = arith.constant 0 : i32
      %dma_start3A_41 = arith.constant 0 : i32
      %dma_start3A_42 = tpu.memref_slice %arg11[%rem3A_38, %dma_start3A_40, %dma_start3A_41] : memref<6x128x128xbf16, #tpu.memory_space<vmem>> -> memref<1x128x128xbf16, #tpu.memory_space<vmem>>
      %dma_start3A_43 = tpu.memref_squeeze %dma_start3A_42 : memref<1x128x128xbf16, #tpu.memory_space<vmem>> -> memref<128x128xbf16, #tpu.memory_space<vmem>>
      %dma_start3A_44 = arith.constant 0 : i32
      %dma_start3A_45 = tpu.memref_slice %arg9[%dma_start3A_39, %dma_start3A_44] : memref<80x128xi32, #tpu.memory_space<vmem>> -> memref<1x128xi32, #tpu.memory_space<vmem>>
      %dma_start3A_46 = tpu.memref_squeeze %dma_start3A_45 : memref<1x128xi32, #tpu.memory_space<vmem>> -> memref<128xi32, #tpu.memory_space<vmem>>
      %dma_start3A_47 = arith.constant 0 : i32
      %dma_start3A_48 = arith.constant 0 : i32
      %dma_start3A_49 = tpu.memref_slice %arg2[%dma_start3A_47, %dma_start3A_48] : memref<10000x128xbf16, #tpu.memory_space<hbm>> -> memref<10000x128xbf16, #tpu.memory_space<hbm>>
      tpu.enqueue_indirect_dma source(%dma_start3A_49 : memref<10000x128xbf16, #tpu.memory_space<hbm>>) target(%dma_start3A_43 : memref<128x128xbf16, #tpu.memory_space<vmem>>) offsets(%dma_start3A_46 : memref<128xi32, #tpu.memory_space<vmem>>) semaphore(%arg13 : memref<!tpu.dma_semaphore, #tpu.memory_space<semaphore_mem>>)
      %rem3A_50 = arith.constant 3 : i32
      %rem3A_51 = arith.constant 6 : i32
      %rem3A_52 = arith.remsi %rem3A_50, %rem3A_51 : i32
      %dma_start3A_53 = arith.constant 0 : i32
      %dma_start3A_54 = arith.constant 0 : i32
      %dma_start3A_55 = arith.constant 0 : i32
      %dma_start3A_56 = tpu.memref_slice %arg11[%rem3A_52, %dma_start3A_54, %dma_start3A_55] : memref<6x128x128xbf16, #tpu.memory_space<vmem>> -> memref<1x128x128xbf16, #tpu.memory_space<vmem>>
      %dma_start3A_57 = tpu.memref_squeeze %dma_start3A_56 : memref<1x128x128xbf16, #tpu.memory_space<vmem>> -> memref<128x128xbf16, #tpu.memory_space<vmem>>
      %dma_start3A_58 = arith.constant 0 : i32
      %dma_start3A_59 = tpu.memref_slice %arg9[%dma_start3A_53, %dma_start3A_58] : memref<80x128xi32, #tpu.memory_space<vmem>> -> memref<1x128xi32, #tpu.memory_space<vmem>>
      %dma_start3A_60 = tpu.memref_squeeze %dma_start3A_59 : memref<1x128xi32, #tpu.memory_space<vmem>> -> memref<128xi32, #tpu.memory_space<vmem>>
      %dma_start3A_61 = arith.constant 0 : i32
      %dma_start3A_62 = arith.constant 0 : i32
      %dma_start3A_63 = tpu.memref_slice %arg2[%dma_start3A_61, %dma_start3A_62] : memref<10000x128xbf16, #tpu.memory_space<hbm>> -> memref<10000x128xbf16, #tpu.memory_space<hbm>>
      tpu.enqueue_indirect_dma source(%dma_start3A_63 : memref<10000x128xbf16, #tpu.memory_space<hbm>>) target(%dma_start3A_57 : memref<128x128xbf16, #tpu.memory_space<vmem>>) offsets(%dma_start3A_60 : memref<128xi32, #tpu.memory_space<vmem>>) semaphore(%arg13 : memref<!tpu.dma_semaphore, #tpu.memory_space<semaphore_mem>>)
      %rem3A_64 = arith.constant 4 : i32
      %rem3A_65 = arith.constant 6 : i32
      %rem3A_66 = arith.remsi %rem3A_64, %rem3A_65 : i32
      %dma_start3A_67 = arith.constant 0 : i32
      %dma_start3A_68 = arith.constant 0 : i32
      %dma_start3A_69 = arith.constant 0 : i32
      %dma_start3A_70 = tpu.memref_slice %arg11[%rem3A_66, %dma_start3A_68, %dma_start3A_69] : memref<6x128x128xbf16, #tpu.memory_space<vmem>> -> memref<1x128x128xbf16, #tpu.memory_space<vmem>>
      %dma_start3A_71 = tpu.memref_squeeze %dma_start3A_70 : memref<1x128x128xbf16, #tpu.memory_space<vmem>> -> memref<128x128xbf16, #tpu.memory_space<vmem>>
      %dma_start3A_72 = arith.constant 0 : i32
      %dma_start3A_73 = tpu.memref_slice %arg9[%dma_start3A_67, %dma_start3A_72] : memref<80x128xi32, #tpu.memory_space<vmem>> -> memref<1x128xi32, #tpu.memory_space<vmem>>
      %dma_start3A_74 = tpu.memref_squeeze %dma_start3A_73 : memref<1x128xi32, #tpu.memory_space<vmem>> -> memref<128xi32, #tpu.memory_space<vmem>>
      %dma_start3A_75 = arith.constant 0 : i32
      %dma_start3A_76 = arith.constant 0 : i32
      %dma_start3A_77 = tpu.memref_slice %arg2[%dma_start3A_75, %dma_start3A_76] : memref<10000x128xbf16, #tpu.memory_space<hbm>> -> memref<10000x128xbf16, #tpu.memory_space<hbm>>
      tpu.enqueue_indirect_dma source(%dma_start3A_77 : memref<10000x128xbf16, #tpu.memory_space<hbm>>) target(%dma_start3A_71 : memref<128x128xbf16, #tpu.memory_space<vmem>>) offsets(%dma_start3A_74 : memref<128xi32, #tpu.memory_space<vmem>>) semaphore(%arg13 : memref<!tpu.dma_semaphore, #tpu.memory_space<semaphore_mem>>)
      %rem3A_78 = arith.constant 5 : i32
      %rem3A_79 = arith.constant 6 : i32
      %rem3A_80 = arith.remsi %rem3A_78, %rem3A_79 : i32
      %dma_start3A_81 = arith.constant 0 : i32
      %dma_start3A_82 = arith.constant 0 : i32
      %dma_start3A_83 = arith.constant 0 : i32
      %dma_start3A_84 = tpu.memref_slice %arg11[%rem3A_80, %dma_start3A_82, %dma_start3A_83] : memref<6x128x128xbf16, #tpu.memory_space<vmem>> -> memref<1x128x128xbf16, #tpu.memory_space<vmem>>
      %dma_start3A_85 = tpu.memref_squeeze %dma_start3A_84 : memref<1x128x128xbf16, #tpu.memory_space<vmem>> -> memref<128x128xbf16, #tpu.memory_space<vmem>>
      %dma_start3A_86 = arith.constant 0 : i32
      %dma_start3A_87 = tpu.memref_slice %arg9[%dma_start3A_81, %dma_start3A_86] : memref<80x128xi32, #tpu.memory_space<vmem>> -> memref<1x128xi32, #tpu.memory_space<vmem>>
      %dma_start3A_88 = tpu.memref_squeeze %dma_start3A_87 : memref<1x128xi32, #tpu.memory_space<vmem>> -> memref<128xi32, #tpu.memory_space<vmem>>
      %dma_start3A_89 = arith.constant 0 : i32
      %dma_start3A_90 = arith.constant 0 : i32
      %dma_start3A_91 = tpu.memref_slice %arg2[%dma_start3A_89, %dma_start3A_90] : memref<10000x128xbf16, #tpu.memory_space<hbm>> -> memref<10000x128xbf16, #tpu.memory_space<hbm>>
      tpu.enqueue_indirect_dma source(%dma_start3A_91 : memref<10000x128xbf16, #tpu.memory_space<hbm>>) target(%dma_start3A_85 : memref<128x128xbf16, #tpu.memory_space<vmem>>) offsets(%dma_start3A_88 : memref<128xi32, #tpu.memory_space<vmem>>) semaphore(%arg13 : memref<!tpu.dma_semaphore, #tpu.memory_space<semaphore_mem>>)
      %scan3A = arith.constant 0 : i32
      %scan3A_92 = arith.constant 80 : i32
      %scan3A_93 = arith.addi %scan3A, %scan3A_92 : i32
      %scan3A_94 = arith.constant 1 : i32
      scf.for %scan3A_106 = %scan3A to %scan3A_93 step %scan3A_94  : i32 {
        %mul3A_107 = arith.constant 1 : i32
        %mul3A_108 = arith.muli %scan3A_106, %mul3A_107 : i32
        %add3A = arith.constant 0 : i32
        %add3A_109 = arith.addi %add3A, %mul3A_108 : i32
        %rem3A_110 = arith.constant 6 : i32
        %rem3A_111 = arith.remsi %add3A_109, %rem3A_110 : i32
        %dma_wait3A = arith.constant 0 : i32
        %dma_wait3A_112 = arith.constant 0 : i32
        %dma_wait3A_113 = tpu.memref_slice %arg11[%rem3A_111, %dma_wait3A, %dma_wait3A_112] : memref<6x128x128xbf16, #tpu.memory_space<vmem>> -> memref<1x128x128xbf16, #tpu.memory_space<vmem>>
        %dma_wait3A_114 = tpu.memref_squeeze %dma_wait3A_113 : memref<1x128x128xbf16, #tpu.memory_space<vmem>> -> memref<128x128xbf16, #tpu.memory_space<vmem>>
        %dma_wait3A_115 = arith.constant 0 : i32
        %dma_wait3A_116 = tpu.memref_slice %arg9[%add3A_109, %dma_wait3A_115] : memref<80x128xi32, #tpu.memory_space<vmem>> -> memref<1x128xi32, #tpu.memory_space<vmem>>
        %dma_wait3A_117 = tpu.memref_squeeze %dma_wait3A_116 : memref<1x128xi32, #tpu.memory_space<vmem>> -> memref<128xi32, #tpu.memory_space<vmem>>
        %dma_wait3A_118 = arith.constant 0 : i32
        %dma_wait3A_119 = arith.constant 0 : i32
        %dma_wait3A_120 = tpu.memref_slice %arg2[%dma_wait3A_118, %dma_wait3A_119] : memref<10000x128xbf16, #tpu.memory_space<hbm>> -> memref<10000x128xbf16, #tpu.memory_space<hbm>>
        tpu.wait_indirect_dma semaphore(%arg13 : memref<!tpu.dma_semaphore, #tpu.memory_space<semaphore_mem>>) src(%dma_wait3A_120 : memref<10000x128xbf16, #tpu.memory_space<hbm>>) dst(%dma_wait3A_114 : memref<128x128xbf16, #tpu.memory_space<vmem>>)
        %rem3A_121 = arith.constant 6 : i32
        %rem3A_122 = arith.remsi %add3A_109, %rem3A_121 : i32
        %dma_start3A_123 = arith.constant 0 : i32
        %dma_start3A_124 = arith.constant 0 : i32
        %dma_start3A_125 = tpu.memref_slice %arg11[%rem3A_122, %dma_start3A_123, %dma_start3A_124] : memref<6x128x128xbf16, #tpu.memory_space<vmem>> -> memref<1x128x128xbf16, #tpu.memory_space<vmem>>
        %dma_start3A_126 = tpu.memref_squeeze %dma_start3A_125 : memref<1x128x128xbf16, #tpu.memory_space<vmem>> -> memref<128x128xbf16, #tpu.memory_space<vmem>>
        %dma_start3A_127 = arith.constant 0 : i32
        %dma_start3A_128 = tpu.memref_slice %arg10[%add3A_109, %dma_start3A_127] : memref<80x128xi32, #tpu.memory_space<vmem>> -> memref<1x128xi32, #tpu.memory_space<vmem>>
        %dma_start3A_129 = tpu.memref_squeeze %dma_start3A_128 : memref<1x128xi32, #tpu.memory_space<vmem>> -> memref<128xi32, #tpu.memory_space<vmem>>
        %dma_start3A_130 = arith.constant 0 : i32
        %dma_start3A_131 = arith.constant 0 : i32
        %dma_start3A_132 = tpu.memref_slice %arg12[%dma_start3A_130, %dma_start3A_131] : memref<10240x128xbf16, #tpu.memory_space<vmem_shared>> -> memref<10240x128xbf16, #tpu.memory_space<vmem_shared>>
        tpu.enqueue_indirect_dma source(%dma_start3A_126 : memref<128x128xbf16, #tpu.memory_space<vmem>>) target(%dma_start3A_132 : memref<10240x128xbf16, #tpu.memory_space<vmem_shared>>) offsets(%dma_start3A_129 : memref<128xi32, #tpu.memory_space<vmem>>) semaphore(%arg14 : memref<!tpu.dma_semaphore, #tpu.memory_space<semaphore_mem>>) {add = true}
        %ge3A = arith.constant 2 : i32
        %ge3A_133 = arith.cmpi sge, %add3A_109, %ge3A : i32
        %convert_element_type3A_134 = arith.extui %ge3A_133 : i1 to i32
        %cond3A_135 = arith.constant 0 : i32
        %cond3A_136 = arith.cmpi ne, %convert_element_type3A_134, %cond3A_135 : i32
        scf.if %cond3A_136 {
          %sub3A = arith.constant 2 : i32
          %sub3A_137 = arith.subi %add3A_109, %sub3A : i32
          %rem3A_138 = arith.constant 6 : i32
          %rem3A_139 = arith.remsi %sub3A_137, %rem3A_138 : i32
          %dma_wait3A_140 = arith.constant 0 : i32
          %dma_wait3A_141 = arith.constant 0 : i32
          %dma_wait3A_142 = tpu.memref_slice %arg11[%rem3A_139, %dma_wait3A_140, %dma_wait3A_141] : memref<6x128x128xbf16, #tpu.memory_space<vmem>> -> memref<1x128x128xbf16, #tpu.memory_space<vmem>>
          %dma_wait3A_143 = tpu.memref_squeeze %dma_wait3A_142 : memref<1x128x128xbf16, #tpu.memory_space<vmem>> -> memref<128x128xbf16, #tpu.memory_space<vmem>>
          %dma_wait3A_144 = arith.constant 0 : i32
          %dma_wait3A_145 = tpu.memref_slice %arg10[%sub3A_137, %dma_wait3A_144] : memref<80x128xi32, #tpu.memory_space<vmem>> -> memref<1x128xi32, #tpu.memory_space<vmem>>
          %dma_wait3A_146 = tpu.memref_squeeze %dma_wait3A_145 : memref<1x128xi32, #tpu.memory_space<vmem>> -> memref<128xi32, #tpu.memory_space<vmem>>
          %dma_wait3A_147 = arith.constant 0 : i32
          %dma_wait3A_148 = arith.constant 0 : i32
          %dma_wait3A_149 = tpu.memref_slice %arg12[%dma_wait3A_147, %dma_wait3A_148] : memref<10240x128xbf16, #tpu.memory_space<vmem_shared>> -> memref<10240x128xbf16, #tpu.memory_space<vmem_shared>>
          tpu.wait_indirect_dma semaphore(%arg14 : memref<!tpu.dma_semaphore, #tpu.memory_space<semaphore_mem>>) src(%dma_wait3A_143 : memref<128x128xbf16, #tpu.memory_space<vmem>>) dst(%dma_wait3A_149 : memref<10240x128xbf16, #tpu.memory_space<vmem_shared>>)
          %add3A_150 = arith.constant 6 : i32
          %add3A_151 = arith.addi %add3A_109, %add3A_150 : i32
          %sub3A_152 = arith.constant 2 : i32
          %sub3A_153 = arith.subi %add3A_151, %sub3A_152 : i32
          %lt3A = arith.constant 80 : i32
          %lt3A_154 = arith.cmpi slt, %sub3A_153, %lt3A : i32
          %convert_element_type3A_155 = arith.extui %lt3A_154 : i1 to i32
          %cond3A_156 = arith.constant 0 : i32
          %cond3A_157 = arith.cmpi ne, %convert_element_type3A_155, %cond3A_156 : i32
          scf.if %cond3A_157 {
            %add3A_158 = arith.constant 6 : i32
            %add3A_159 = arith.addi %add3A_109, %add3A_158 : i32
            %sub3A_160 = arith.constant 2 : i32
            %sub3A_161 = arith.subi %add3A_159, %sub3A_160 : i32
            %rem3A_162 = arith.constant 6 : i32
            %rem3A_163 = arith.remsi %sub3A_161, %rem3A_162 : i32
            %dma_start3A_164 = arith.constant 0 : i32
            %dma_start3A_165 = arith.constant 0 : i32
            %dma_start3A_166 = arith.constant 0 : i32
            %dma_start3A_167 = tpu.memref_slice %arg11[%rem3A_163, %dma_start3A_165, %dma_start3A_166] : memref<6x128x128xbf16, #tpu.memory_space<vmem>> -> memref<1x128x128xbf16, #tpu.memory_space<vmem>>
            %dma_start3A_168 = tpu.memref_squeeze %dma_start3A_167 : memref<1x128x128xbf16, #tpu.memory_space<vmem>> -> memref<128x128xbf16, #tpu.memory_space<vmem>>
            %dma_start3A_169 = arith.constant 0 : i32
            %dma_start3A_170 = tpu.memref_slice %arg9[%dma_start3A_164, %dma_start3A_169] : memref<80x128xi32, #tpu.memory_space<vmem>> -> memref<1x128xi32, #tpu.memory_space<vmem>>
            %dma_start3A_171 = tpu.memref_squeeze %dma_start3A_170 : memref<1x128xi32, #tpu.memory_space<vmem>> -> memref<128xi32, #tpu.memory_space<vmem>>
            %dma_start3A_172 = arith.constant 0 : i32
            %dma_start3A_173 = arith.constant 0 : i32
            %dma_start3A_174 = tpu.memref_slice %arg2[%dma_start3A_172, %dma_start3A_173] : memref<10000x128xbf16, #tpu.memory_space<hbm>> -> memref<10000x128xbf16, #tpu.memory_space<hbm>>
            tpu.enqueue_indirect_dma source(%dma_start3A_174 : memref<10000x128xbf16, #tpu.memory_space<hbm>>) target(%dma_start3A_168 : memref<128x128xbf16, #tpu.memory_space<vmem>>) offsets(%dma_start3A_171 : memref<128xi32, #tpu.memory_space<vmem>>) semaphore(%arg13 : memref<!tpu.dma_semaphore, #tpu.memory_space<semaphore_mem>>)
          } else {
          }
        } else {
        }
      }
      %scan3A_95 = arith.constant 80 : i32
      %scan3A_96 = arith.constant 0 : i32
      %scan3A_97 = arith.constant 2 : i32
      %scan3A_98 = arith.addi %scan3A_96, %scan3A_97 : i32
      %scan3A_99 = arith.constant 1 : i32
      scf.for %scan3A_106 = %scan3A_96 to %scan3A_98 step %scan3A_99  : i32 {
        %mul3A_107 = arith.constant 1 : i32
        %mul3A_108 = arith.muli %scan3A_106, %mul3A_107 : i32
        %add3A = arith.constant 78 : i32
        %add3A_109 = arith.addi %add3A, %mul3A_108 : i32
        %rem3A_110 = arith.constant 6 : i32
        %rem3A_111 = arith.remsi %add3A_109, %rem3A_110 : i32
        %dma_wait3A = arith.constant 0 : i32
        %dma_wait3A_112 = arith.constant 0 : i32
        %dma_wait3A_113 = tpu.memref_slice %arg11[%rem3A_111, %dma_wait3A, %dma_wait3A_112] : memref<6x128x128xbf16, #tpu.memory_space<vmem>> -> memref<1x128x128xbf16, #tpu.memory_space<vmem>>
        %dma_wait3A_114 = tpu.memref_squeeze %dma_wait3A_113 : memref<1x128x128xbf16, #tpu.memory_space<vmem>> -> memref<128x128xbf16, #tpu.memory_space<vmem>>
        %dma_wait3A_115 = arith.constant 0 : i32
        %dma_wait3A_116 = tpu.memref_slice %arg10[%add3A_109, %dma_wait3A_115] : memref<80x128xi32, #tpu.memory_space<vmem>> -> memref<1x128xi32, #tpu.memory_space<vmem>>
        %dma_wait3A_117 = tpu.memref_squeeze %dma_wait3A_116 : memref<1x128xi32, #tpu.memory_space<vmem>> -> memref<128xi32, #tpu.memory_space<vmem>>
        %dma_wait3A_118 = arith.constant 0 : i32
        %dma_wait3A_119 = arith.constant 0 : i32
        %dma_wait3A_120 = tpu.memref_slice %arg12[%dma_wait3A_118, %dma_wait3A_119] : memref<10240x128xbf16, #tpu.memory_space<vmem_shared>> -> memref<10240x128xbf16, #tpu.memory_space<vmem_shared>>
        tpu.wait_indirect_dma semaphore(%arg14 : memref<!tpu.dma_semaphore, #tpu.memory_space<semaphore_mem>>) src(%dma_wait3A_114 : memref<128x128xbf16, #tpu.memory_space<vmem>>) dst(%dma_wait3A_120 : memref<10240x128xbf16, #tpu.memory_space<vmem_shared>>)
      }
      %scan3A_100 = arith.constant 2 : i32
      %barrier3A_101 = arith.constant 0 : index
      tpu.barrier barrier_id(%barrier3A_101)
      %mul3A_102 = arith.constant 640 : i32
      %mul3A_103 = arith.muli %arg1, %mul3A_102 : i32
      %mul3A_104 = arith.constant 640 : i32
      %mul3A_105 = arith.muli %arg1, %mul3A_104 : i32
      "tpu.region"() ({
        %run_scoped3A = tpu.sem_alloc : memref<!tpu.dma_semaphore, #tpu.memory_space<semaphore_mem>>
        %dma_start3A_106 = arith.constant 0 : i32
        %dma_start3A_107 = tpu.memref_slice %arg7[%mul3A_105, %dma_start3A_106] : memref<10240x128xbf16, #tpu.memory_space<hbm>> -> memref<640x128xbf16, #tpu.memory_space<hbm>>
        %dma_start3A_108 = arith.constant 0 : i32
        %dma_start3A_109 = tpu.memref_slice %arg12[%mul3A_103, %dma_start3A_108] : memref<10240x128xbf16, #tpu.memory_space<vmem_shared>> -> memref<640x128xbf16, #tpu.memory_space<vmem_shared>>
        tpu.enqueue_dma source(%dma_start3A_109 : memref<640x128xbf16, #tpu.memory_space<vmem_shared>>) target(%dma_start3A_107 : memref<640x128xbf16, #tpu.memory_space<hbm>>) target_semaphore(%run_scoped3A : memref<!tpu.dma_semaphore, #tpu.memory_space<semaphore_mem>>)
        %dma_wait3A = arith.constant 0 : i32
        %dma_wait3A_110 = tpu.memref_slice %arg7[%mul3A_105, %dma_wait3A] : memref<10240x128xbf16, #tpu.memory_space<hbm>> -> memref<640x128xbf16, #tpu.memory_space<hbm>>
        %dma_wait3A_111 = arith.constant 0 : i32
        %dma_wait3A_112 = tpu.memref_slice %arg12[%mul3A_103, %dma_wait3A_111] : memref<10240x128xbf16, #tpu.memory_space<vmem_shared>> -> memref<640x128xbf16, #tpu.memory_space<vmem_shared>>
        tpu.wait_dma2 semaphore(%run_scoped3A : memref<!tpu.dma_semaphore, #tpu.memory_space<semaphore_mem>>) src(%dma_wait3A_112 : memref<640x128xbf16, #tpu.memory_space<vmem_shared>>) dst(%dma_wait3A_110 : memref<640x128xbf16, #tpu.memory_space<hbm>>)
        tpu.yield
      }) : () -> ()
    } else {
    }
    %eq3A_3 = arith.constant 1 : i32
    %eq3A_4 = arith.cmpi eq, %arg0, %eq3A_3 : i32
    %convert_element_type3A_5 = arith.extui %eq3A_4 : i1 to i32
    %cond3A_6 = arith.constant 0 : i32
    %cond3A_7 = arith.cmpi ne, %convert_element_type3A_5, %cond3A_6 : i32
    scf.if %cond3A_7 {
      %mul3A_8 = arith.constant 640 : i32
      %mul3A_9 = arith.muli %arg1, %mul3A_8 : i32
      "tpu.region"() ({
        %run_scoped3A = tpu.sem_alloc : memref<!tpu.dma_semaphore, #tpu.memory_space<semaphore_mem>>
        %dma_start3A_106 = arith.constant 0 : i32
        %dma_start3A_107 = tpu.memref_slice %arg12[%mul3A_9, %dma_start3A_106] : memref<10240x128xbf16, #tpu.memory_space<vmem_shared>> -> memref<640x128xbf16, #tpu.memory_space<vmem_shared>>
        tpu.enqueue_dma source(%arg6 : memref<640x128xbf16, #tpu.memory_space<hbm>>) target(%dma_start3A_107 : memref<640x128xbf16, #tpu.memory_space<vmem_shared>>) target_semaphore(%run_scoped3A : memref<!tpu.dma_semaphore, #tpu.memory_space<semaphore_mem>>)
        %dma_wait3A = arith.constant 0 : i32
        %dma_wait3A_108 = tpu.memref_slice %arg12[%mul3A_9, %dma_wait3A] : memref<10240x128xbf16, #tpu.memory_space<vmem_shared>> -> memref<640x128xbf16, #tpu.memory_space<vmem_shared>>
        tpu.wait_dma2 semaphore(%run_scoped3A : memref<!tpu.dma_semaphore, #tpu.memory_space<semaphore_mem>>) src(%arg6 : memref<640x128xbf16, #tpu.memory_space<hbm>>) dst(%dma_wait3A_108 : memref<640x128xbf16, #tpu.memory_space<vmem_shared>>)
        tpu.yield
      }) : () -> ()
      %barrier3A = arith.constant 0 : index
      tpu.barrier barrier_id(%barrier3A)
      %rem3A = arith.constant 0 : i32
      %rem3A_10 = arith.constant 6 : i32
      %rem3A_11 = arith.remsi %rem3A, %rem3A_10 : i32
      %dma_start3A = arith.constant 0 : i32
      %dma_start3A_12 = arith.constant 0 : i32
      %dma_start3A_13 = arith.constant 0 : i32
      %dma_start3A_14 = tpu.memref_slice %arg11[%rem3A_11, %dma_start3A_12, %dma_start3A_13] : memref<6x128x128xbf16, #tpu.memory_space<vmem>> -> memref<1x128x128xbf16, #tpu.memory_space<vmem>>
      %dma_start3A_15 = tpu.memref_squeeze %dma_start3A_14 : memref<1x128x128xbf16, #tpu.memory_space<vmem>> -> memref<128x128xbf16, #tpu.memory_space<vmem>>
      %dma_start3A_16 = arith.constant 0 : i32
      %dma_start3A_17 = tpu.memref_slice %arg9[%dma_start3A, %dma_start3A_16] : memref<80x128xi32, #tpu.memory_space<vmem>> -> memref<1x128xi32, #tpu.memory_space<vmem>>
      %dma_start3A_18 = tpu.memref_squeeze %dma_start3A_17 : memref<1x128xi32, #tpu.memory_space<vmem>> -> memref<128xi32, #tpu.memory_space<vmem>>
      %dma_start3A_19 = arith.constant 0 : i32
      %dma_start3A_20 = arith.constant 0 : i32
      %dma_start3A_21 = tpu.memref_slice %arg3[%dma_start3A_19, %dma_start3A_20] : memref<10000x128xbf16, #tpu.memory_space<hbm>> -> memref<10000x128xbf16, #tpu.memory_space<hbm>>
      tpu.enqueue_indirect_dma source(%dma_start3A_21 : memref<10000x128xbf16, #tpu.memory_space<hbm>>) target(%dma_start3A_15 : memref<128x128xbf16, #tpu.memory_space<vmem>>) offsets(%dma_start3A_18 : memref<128xi32, #tpu.memory_space<vmem>>) semaphore(%arg13 : memref<!tpu.dma_semaphore, #tpu.memory_space<semaphore_mem>>)
      %rem3A_22 = arith.constant 1 : i32
      %rem3A_23 = arith.constant 6 : i32
      %rem3A_24 = arith.remsi %rem3A_22, %rem3A_23 : i32
      %dma_start3A_25 = arith.constant 0 : i32
      %dma_start3A_26 = arith.constant 0 : i32
      %dma_start3A_27 = arith.constant 0 : i32
      %dma_start3A_28 = tpu.memref_slice %arg11[%rem3A_24, %dma_start3A_26, %dma_start3A_27] : memref<6x128x128xbf16, #tpu.memory_space<vmem>> -> memref<1x128x128xbf16, #tpu.memory_space<vmem>>
      %dma_start3A_29 = tpu.memref_squeeze %dma_start3A_28 : memref<1x128x128xbf16, #tpu.memory_space<vmem>> -> memref<128x128xbf16, #tpu.memory_space<vmem>>
      %dma_start3A_30 = arith.constant 0 : i32
      %dma_start3A_31 = tpu.memref_slice %arg9[%dma_start3A_25, %dma_start3A_30] : memref<80x128xi32, #tpu.memory_space<vmem>> -> memref<1x128xi32, #tpu.memory_space<vmem>>
      %dma_start3A_32 = tpu.memref_squeeze %dma_start3A_31 : memref<1x128xi32, #tpu.memory_space<vmem>> -> memref<128xi32, #tpu.memory_space<vmem>>
      %dma_start3A_33 = arith.constant 0 : i32
      %dma_start3A_34 = arith.constant 0 : i32
      %dma_start3A_35 = tpu.memref_slice %arg3[%dma_start3A_33, %dma_start3A_34] : memref<10000x128xbf16, #tpu.memory_space<hbm>> -> memref<10000x128xbf16, #tpu.memory_space<hbm>>
      tpu.enqueue_indirect_dma source(%dma_start3A_35 : memref<10000x128xbf16, #tpu.memory_space<hbm>>) target(%dma_start3A_29 : memref<128x128xbf16, #tpu.memory_space<vmem>>) offsets(%dma_start3A_32 : memref<128xi32, #tpu.memory_space<vmem>>) semaphore(%arg13 : memref<!tpu.dma_semaphore, #tpu.memory_space<semaphore_mem>>)
      %rem3A_36 = arith.constant 2 : i32
      %rem3A_37 = arith.constant 6 : i32
      %rem3A_38 = arith.remsi %rem3A_36, %rem3A_37 : i32
      %dma_start3A_39 = arith.constant 0 : i32
      %dma_start3A_40 = arith.constant 0 : i32
      %dma_start3A_41 = arith.constant 0 : i32
      %dma_start3A_42 = tpu.memref_slice %arg11[%rem3A_38, %dma_start3A_40, %dma_start3A_41] : memref<6x128x128xbf16, #tpu.memory_space<vmem>> -> memref<1x128x128xbf16, #tpu.memory_space<vmem>>
      %dma_start3A_43 = tpu.memref_squeeze %dma_start3A_42 : memref<1x128x128xbf16, #tpu.memory_space<vmem>> -> memref<128x128xbf16, #tpu.memory_space<vmem>>
      %dma_start3A_44 = arith.constant 0 : i32
      %dma_start3A_45 = tpu.memref_slice %arg9[%dma_start3A_39, %dma_start3A_44] : memref<80x128xi32, #tpu.memory_space<vmem>> -> memref<1x128xi32, #tpu.memory_space<vmem>>
      %dma_start3A_46 = tpu.memref_squeeze %dma_start3A_45 : memref<1x128xi32, #tpu.memory_space<vmem>> -> memref<128xi32, #tpu.memory_space<vmem>>
      %dma_start3A_47 = arith.constant 0 : i32
      %dma_start3A_48 = arith.constant 0 : i32
      %dma_start3A_49 = tpu.memref_slice %arg3[%dma_start3A_47, %dma_start3A_48] : memref<10000x128xbf16, #tpu.memory_space<hbm>> -> memref<10000x128xbf16, #tpu.memory_space<hbm>>
      tpu.enqueue_indirect_dma source(%dma_start3A_49 : memref<10000x128xbf16, #tpu.memory_space<hbm>>) target(%dma_start3A_43 : memref<128x128xbf16, #tpu.memory_space<vmem>>) offsets(%dma_start3A_46 : memref<128xi32, #tpu.memory_space<vmem>>) semaphore(%arg13 : memref<!tpu.dma_semaphore, #tpu.memory_space<semaphore_mem>>)
      %rem3A_50 = arith.constant 3 : i32
      %rem3A_51 = arith.constant 6 : i32
      %rem3A_52 = arith.remsi %rem3A_50, %rem3A_51 : i32
      %dma_start3A_53 = arith.constant 0 : i32
      %dma_start3A_54 = arith.constant 0 : i32
      %dma_start3A_55 = arith.constant 0 : i32
      %dma_start3A_56 = tpu.memref_slice %arg11[%rem3A_52, %dma_start3A_54, %dma_start3A_55] : memref<6x128x128xbf16, #tpu.memory_space<vmem>> -> memref<1x128x128xbf16, #tpu.memory_space<vmem>>
      %dma_start3A_57 = tpu.memref_squeeze %dma_start3A_56 : memref<1x128x128xbf16, #tpu.memory_space<vmem>> -> memref<128x128xbf16, #tpu.memory_space<vmem>>
      %dma_start3A_58 = arith.constant 0 : i32
      %dma_start3A_59 = tpu.memref_slice %arg9[%dma_start3A_53, %dma_start3A_58] : memref<80x128xi32, #tpu.memory_space<vmem>> -> memref<1x128xi32, #tpu.memory_space<vmem>>
      %dma_start3A_60 = tpu.memref_squeeze %dma_start3A_59 : memref<1x128xi32, #tpu.memory_space<vmem>> -> memref<128xi32, #tpu.memory_space<vmem>>
      %dma_start3A_61 = arith.constant 0 : i32
      %dma_start3A_62 = arith.constant 0 : i32
      %dma_start3A_63 = tpu.memref_slice %arg3[%dma_start3A_61, %dma_start3A_62] : memref<10000x128xbf16, #tpu.memory_space<hbm>> -> memref<10000x128xbf16, #tpu.memory_space<hbm>>
      tpu.enqueue_indirect_dma source(%dma_start3A_63 : memref<10000x128xbf16, #tpu.memory_space<hbm>>) target(%dma_start3A_57 : memref<128x128xbf16, #tpu.memory_space<vmem>>) offsets(%dma_start3A_60 : memref<128xi32, #tpu.memory_space<vmem>>) semaphore(%arg13 : memref<!tpu.dma_semaphore, #tpu.memory_space<semaphore_mem>>)
      %rem3A_64 = arith.constant 4 : i32
      %rem3A_65 = arith.constant 6 : i32
      %rem3A_66 = arith.remsi %rem3A_64, %rem3A_65 : i32
      %dma_start3A_67 = arith.constant 0 : i32
      %dma_start3A_68 = arith.constant 0 : i32
      %dma_start3A_69 = arith.constant 0 : i32
      %dma_start3A_70 = tpu.memref_slice %arg11[%rem3A_66, %dma_start3A_68, %dma_start3A_69] : memref<6x128x128xbf16, #tpu.memory_space<vmem>> -> memref<1x128x128xbf16, #tpu.memory_space<vmem>>
      %dma_start3A_71 = tpu.memref_squeeze %dma_start3A_70 : memref<1x128x128xbf16, #tpu.memory_space<vmem>> -> memref<128x128xbf16, #tpu.memory_space<vmem>>
      %dma_start3A_72 = arith.constant 0 : i32
      %dma_start3A_73 = tpu.memref_slice %arg9[%dma_start3A_67, %dma_start3A_72] : memref<80x128xi32, #tpu.memory_space<vmem>> -> memref<1x128xi32, #tpu.memory_space<vmem>>
      %dma_start3A_74 = tpu.memref_squeeze %dma_start3A_73 : memref<1x128xi32, #tpu.memory_space<vmem>> -> memref<128xi32, #tpu.memory_space<vmem>>
      %dma_start3A_75 = arith.constant 0 : i32
      %dma_start3A_76 = arith.constant 0 : i32
      %dma_start3A_77 = tpu.memref_slice %arg3[%dma_start3A_75, %dma_start3A_76] : memref<10000x128xbf16, #tpu.memory_space<hbm>> -> memref<10000x128xbf16, #tpu.memory_space<hbm>>
      tpu.enqueue_indirect_dma source(%dma_start3A_77 : memref<10000x128xbf16, #tpu.memory_space<hbm>>) target(%dma_start3A_71 : memref<128x128xbf16, #tpu.memory_space<vmem>>) offsets(%dma_start3A_74 : memref<128xi32, #tpu.memory_space<vmem>>) semaphore(%arg13 : memref<!tpu.dma_semaphore, #tpu.memory_space<semaphore_mem>>)
      %rem3A_78 = arith.constant 5 : i32
      %rem3A_79 = arith.constant 6 : i32
      %rem3A_80 = arith.remsi %rem3A_78, %rem3A_79 : i32
      %dma_start3A_81 = arith.constant 0 : i32
      %dma_start3A_82 = arith.constant 0 : i32
      %dma_start3A_83 = arith.constant 0 : i32
      %dma_start3A_84 = tpu.memref_slice %arg11[%rem3A_80, %dma_start3A_82, %dma_start3A_83] : memref<6x128x128xbf16, #tpu.memory_space<vmem>> -> memref<1x128x128xbf16, #tpu.memory_space<vmem>>
      %dma_start3A_85 = tpu.memref_squeeze %dma_start3A_84 : memref<1x128x128xbf16, #tpu.memory_space<vmem>> -> memref<128x128xbf16, #tpu.memory_space<vmem>>
      %dma_start3A_86 = arith.constant 0 : i32
      %dma_start3A_87 = tpu.memref_slice %arg9[%dma_start3A_81, %dma_start3A_86] : memref<80x128xi32, #tpu.memory_space<vmem>> -> memref<1x128xi32, #tpu.memory_space<vmem>>
      %dma_start3A_88 = tpu.memref_squeeze %dma_start3A_87 : memref<1x128xi32, #tpu.memory_space<vmem>> -> memref<128xi32, #tpu.memory_space<vmem>>
      %dma_start3A_89 = arith.constant 0 : i32
      %dma_start3A_90 = arith.constant 0 : i32
      %dma_start3A_91 = tpu.memref_slice %arg3[%dma_start3A_89, %dma_start3A_90] : memref<10000x128xbf16, #tpu.memory_space<hbm>> -> memref<10000x128xbf16, #tpu.memory_space<hbm>>
      tpu.enqueue_indirect_dma source(%dma_start3A_91 : memref<10000x128xbf16, #tpu.memory_space<hbm>>) target(%dma_start3A_85 : memref<128x128xbf16, #tpu.memory_space<vmem>>) offsets(%dma_start3A_88 : memref<128xi32, #tpu.memory_space<vmem>>) semaphore(%arg13 : memref<!tpu.dma_semaphore, #tpu.memory_space<semaphore_mem>>)
      %scan3A = arith.constant 0 : i32
      %scan3A_92 = arith.constant 80 : i32
      %scan3A_93 = arith.addi %scan3A, %scan3A_92 : i32
      %scan3A_94 = arith.constant 1 : i32
      scf.for %scan3A_106 = %scan3A to %scan3A_93 step %scan3A_94  : i32 {
        %mul3A_107 = arith.constant 1 : i32
        %mul3A_108 = arith.muli %scan3A_106, %mul3A_107 : i32
        %add3A = arith.constant 0 : i32
        %add3A_109 = arith.addi %add3A, %mul3A_108 : i32
        %rem3A_110 = arith.constant 6 : i32
        %rem3A_111 = arith.remsi %add3A_109, %rem3A_110 : i32
        %dma_wait3A = arith.constant 0 : i32
        %dma_wait3A_112 = arith.constant 0 : i32
        %dma_wait3A_113 = tpu.memref_slice %arg11[%rem3A_111, %dma_wait3A, %dma_wait3A_112] : memref<6x128x128xbf16, #tpu.memory_space<vmem>> -> memref<1x128x128xbf16, #tpu.memory_space<vmem>>
        %dma_wait3A_114 = tpu.memref_squeeze %dma_wait3A_113 : memref<1x128x128xbf16, #tpu.memory_space<vmem>> -> memref<128x128xbf16, #tpu.memory_space<vmem>>
        %dma_wait3A_115 = arith.constant 0 : i32
        %dma_wait3A_116 = tpu.memref_slice %arg9[%add3A_109, %dma_wait3A_115] : memref<80x128xi32, #tpu.memory_space<vmem>> -> memref<1x128xi32, #tpu.memory_space<vmem>>
        %dma_wait3A_117 = tpu.memref_squeeze %dma_wait3A_116 : memref<1x128xi32, #tpu.memory_space<vmem>> -> memref<128xi32, #tpu.memory_space<vmem>>
        %dma_wait3A_118 = arith.constant 0 : i32
        %dma_wait3A_119 = arith.constant 0 : i32
        %dma_wait3A_120 = tpu.memref_slice %arg3[%dma_wait3A_118, %dma_wait3A_119] : memref<10000x128xbf16, #tpu.memory_space<hbm>> -> memref<10000x128xbf16, #tpu.memory_space<hbm>>
        tpu.wait_indirect_dma semaphore(%arg13 : memref<!tpu.dma_semaphore, #tpu.memory_space<semaphore_mem>>) src(%dma_wait3A_120 : memref<10000x128xbf16, #tpu.memory_space<hbm>>) dst(%dma_wait3A_114 : memref<128x128xbf16, #tpu.memory_space<vmem>>)
        %rem3A_121 = arith.constant 6 : i32
        %rem3A_122 = arith.remsi %add3A_109, %rem3A_121 : i32
        %dma_start3A_123 = arith.constant 0 : i32
        %dma_start3A_124 = arith.constant 0 : i32
        %dma_start3A_125 = tpu.memref_slice %arg11[%rem3A_122, %dma_start3A_123, %dma_start3A_124] : memref<6x128x128xbf16, #tpu.memory_space<vmem>> -> memref<1x128x128xbf16, #tpu.memory_space<vmem>>
        %dma_start3A_126 = tpu.memref_squeeze %dma_start3A_125 : memref<1x128x128xbf16, #tpu.memory_space<vmem>> -> memref<128x128xbf16, #tpu.memory_space<vmem>>
        %dma_start3A_127 = arith.constant 0 : i32
        %dma_start3A_128 = tpu.memref_slice %arg10[%add3A_109, %dma_start3A_127] : memref<80x128xi32, #tpu.memory_space<vmem>> -> memref<1x128xi32, #tpu.memory_space<vmem>>
        %dma_start3A_129 = tpu.memref_squeeze %dma_start3A_128 : memref<1x128xi32, #tpu.memory_space<vmem>> -> memref<128xi32, #tpu.memory_space<vmem>>
        %dma_start3A_130 = arith.constant 0 : i32
        %dma_start3A_131 = arith.constant 0 : i32
        %dma_start3A_132 = tpu.memref_slice %arg12[%dma_start3A_130, %dma_start3A_131] : memref<10240x128xbf16, #tpu.memory_space<vmem_shared>> -> memref<10240x128xbf16, #tpu.memory_space<vmem_shared>>
        tpu.enqueue_indirect_dma source(%dma_start3A_126 : memref<128x128xbf16, #tpu.memory_space<vmem>>) target(%dma_start3A_132 : memref<10240x128xbf16, #tpu.memory_space<vmem_shared>>) offsets(%dma_start3A_129 : memref<128xi32, #tpu.memory_space<vmem>>) semaphore(%arg14 : memref<!tpu.dma_semaphore, #tpu.memory_space<semaphore_mem>>) {add = true}
        %ge3A = arith.constant 2 : i32
        %ge3A_133 = arith.cmpi sge, %add3A_109, %ge3A : i32
        %convert_element_type3A_134 = arith.extui %ge3A_133 : i1 to i32
        %cond3A_135 = arith.constant 0 : i32
        %cond3A_136 = arith.cmpi ne, %convert_element_type3A_134, %cond3A_135 : i32
        scf.if %cond3A_136 {
          %sub3A = arith.constant 2 : i32
          %sub3A_137 = arith.subi %add3A_109, %sub3A : i32
          %rem3A_138 = arith.constant 6 : i32
          %rem3A_139 = arith.remsi %sub3A_137, %rem3A_138 : i32
          %dma_wait3A_140 = arith.constant 0 : i32
          %dma_wait3A_141 = arith.constant 0 : i32
          %dma_wait3A_142 = tpu.memref_slice %arg11[%rem3A_139, %dma_wait3A_140, %dma_wait3A_141] : memref<6x128x128xbf16, #tpu.memory_space<vmem>> -> memref<1x128x128xbf16, #tpu.memory_space<vmem>>
          %dma_wait3A_143 = tpu.memref_squeeze %dma_wait3A_142 : memref<1x128x128xbf16, #tpu.memory_space<vmem>> -> memref<128x128xbf16, #tpu.memory_space<vmem>>
          %dma_wait3A_144 = arith.constant 0 : i32
          %dma_wait3A_145 = tpu.memref_slice %arg10[%sub3A_137, %dma_wait3A_144] : memref<80x128xi32, #tpu.memory_space<vmem>> -> memref<1x128xi32, #tpu.memory_space<vmem>>
          %dma_wait3A_146 = tpu.memref_squeeze %dma_wait3A_145 : memref<1x128xi32, #tpu.memory_space<vmem>> -> memref<128xi32, #tpu.memory_space<vmem>>
          %dma_wait3A_147 = arith.constant 0 : i32
          %dma_wait3A_148 = arith.constant 0 : i32
          %dma_wait3A_149 = tpu.memref_slice %arg12[%dma_wait3A_147, %dma_wait3A_148] : memref<10240x128xbf16, #tpu.memory_space<vmem_shared>> -> memref<10240x128xbf16, #tpu.memory_space<vmem_shared>>
          tpu.wait_indirect_dma semaphore(%arg14 : memref<!tpu.dma_semaphore, #tpu.memory_space<semaphore_mem>>) src(%dma_wait3A_143 : memref<128x128xbf16, #tpu.memory_space<vmem>>) dst(%dma_wait3A_149 : memref<10240x128xbf16, #tpu.memory_space<vmem_shared>>)
          %add3A_150 = arith.constant 6 : i32
          %add3A_151 = arith.addi %add3A_109, %add3A_150 : i32
          %sub3A_152 = arith.constant 2 : i32
          %sub3A_153 = arith.subi %add3A_151, %sub3A_152 : i32
          %lt3A = arith.constant 80 : i32
          %lt3A_154 = arith.cmpi slt, %sub3A_153, %lt3A : i32
          %convert_element_type3A_155 = arith.extui %lt3A_154 : i1 to i32
          %cond3A_156 = arith.constant 0 : i32
          %cond3A_157 = arith.cmpi ne, %convert_element_type3A_155, %cond3A_156 : i32
          scf.if %cond3A_157 {
            %add3A_158 = arith.constant 6 : i32
            %add3A_159 = arith.addi %add3A_109, %add3A_158 : i32
            %sub3A_160 = arith.constant 2 : i32
            %sub3A_161 = arith.subi %add3A_159, %sub3A_160 : i32
            %rem3A_162 = arith.constant 6 : i32
            %rem3A_163 = arith.remsi %sub3A_161, %rem3A_162 : i32
            %dma_start3A_164 = arith.constant 0 : i32
            %dma_start3A_165 = arith.constant 0 : i32
            %dma_start3A_166 = arith.constant 0 : i32
            %dma_start3A_167 = tpu.memref_slice %arg11[%rem3A_163, %dma_start3A_165, %dma_start3A_166] : memref<6x128x128xbf16, #tpu.memory_space<vmem>> -> memref<1x128x128xbf16, #tpu.memory_space<vmem>>
            %dma_start3A_168 = tpu.memref_squeeze %dma_start3A_167 : memref<1x128x128xbf16, #tpu.memory_space<vmem>> -> memref<128x128xbf16, #tpu.memory_space<vmem>>
            %dma_start3A_169 = arith.constant 0 : i32
            %dma_start3A_170 = tpu.memref_slice %arg9[%dma_start3A_164, %dma_start3A_169] : memref<80x128xi32, #tpu.memory_space<vmem>> -> memref<1x128xi32, #tpu.memory_space<vmem>>
            %dma_start3A_171 = tpu.memref_squeeze %dma_start3A_170 : memref<1x128xi32, #tpu.memory_space<vmem>> -> memref<128xi32, #tpu.memory_space<vmem>>
            %dma_start3A_172 = arith.constant 0 : i32
            %dma_start3A_173 = arith.constant 0 : i32
            %dma_start3A_174 = tpu.memref_slice %arg3[%dma_start3A_172, %dma_start3A_173] : memref<10000x128xbf16, #tpu.memory_space<hbm>> -> memref<10000x128xbf16, #tpu.memory_space<hbm>>
            tpu.enqueue_indirect_dma source(%dma_start3A_174 : memref<10000x128xbf16, #tpu.memory_space<hbm>>) target(%dma_start3A_168 : memref<128x128xbf16, #tpu.memory_space<vmem>>) offsets(%dma_start3A_171 : memref<128xi32, #tpu.memory_space<vmem>>) semaphore(%arg13 : memref<!tpu.dma_semaphore, #tpu.memory_space<semaphore_mem>>)
          } else {
          }
        } else {
        }
      }
      %scan3A_95 = arith.constant 80 : i32
      %scan3A_96 = arith.constant 0 : i32
      %scan3A_97 = arith.constant 2 : i32
      %scan3A_98 = arith.addi %scan3A_96, %scan3A_97 : i32
      %scan3A_99 = arith.constant 1 : i32
      scf.for %scan3A_106 = %scan3A_96 to %scan3A_98 step %scan3A_99  : i32 {
        %mul3A_107 = arith.constant 1 : i32
        %mul3A_108 = arith.muli %scan3A_106, %mul3A_107 : i32
        %add3A = arith.constant 78 : i32
        %add3A_109 = arith.addi %add3A, %mul3A_108 : i32
        %rem3A_110 = arith.constant 6 : i32
        %rem3A_111 = arith.remsi %add3A_109, %rem3A_110 : i32
        %dma_wait3A = arith.constant 0 : i32
        %dma_wait3A_112 = arith.constant 0 : i32
        %dma_wait3A_113 = tpu.memref_slice %arg11[%rem3A_111, %dma_wait3A, %dma_wait3A_112] : memref<6x128x128xbf16, #tpu.memory_space<vmem>> -> memref<1x128x128xbf16, #tpu.memory_space<vmem>>
        %dma_wait3A_114 = tpu.memref_squeeze %dma_wait3A_113 : memref<1x128x128xbf16, #tpu.memory_space<vmem>> -> memref<128x128xbf16, #tpu.memory_space<vmem>>
        %dma_wait3A_115 = arith.constant 0 : i32
        %dma_wait3A_116 = tpu.memref_slice %arg10[%add3A_109, %dma_wait3A_115] : memref<80x128xi32, #tpu.memory_space<vmem>> -> memref<1x128xi32, #tpu.memory_space<vmem>>
        %dma_wait3A_117 = tpu.memref_squeeze %dma_wait3A_116 : memref<1x128xi32, #tpu.memory_space<vmem>> -> memref<128xi32, #tpu.memory_space<vmem>>
        %dma_wait3A_118 = arith.constant 0 : i32
        %dma_wait3A_119 = arith.constant 0 : i32
        %dma_wait3A_120 = tpu.memref_slice %arg12[%dma_wait3A_118, %dma_wait3A_119] : memref<10240x128xbf16, #tpu.memory_space<vmem_shared>> -> memref<10240x128xbf16, #tpu.memory_space<vmem_shared>>
        tpu.wait_indirect_dma semaphore(%arg14 : memref<!tpu.dma_semaphore, #tpu.memory_space<semaphore_mem>>) src(%dma_wait3A_114 : memref<128x128xbf16, #tpu.memory_space<vmem>>) dst(%dma_wait3A_120 : memref<10240x128xbf16, #tpu.memory_space<vmem_shared>>)
      }
      %scan3A_100 = arith.constant 2 : i32
      %barrier3A_101 = arith.constant 0 : index
      tpu.barrier barrier_id(%barrier3A_101)
      %mul3A_102 = arith.constant 640 : i32
      %mul3A_103 = arith.muli %arg1, %mul3A_102 : i32
      %mul3A_104 = arith.constant 640 : i32
      %mul3A_105 = arith.muli %arg1, %mul3A_104 : i32
      "tpu.region"() ({
        %run_scoped3A = tpu.sem_alloc : memref<!tpu.dma_semaphore, #tpu.memory_space<semaphore_mem>>
        %dma_start3A_106 = arith.constant 0 : i32
        %dma_start3A_107 = tpu.memref_slice %arg8[%mul3A_105, %dma_start3A_106] : memref<10240x128xbf16, #tpu.memory_space<hbm>> -> memref<640x128xbf16, #tpu.memory_space<hbm>>
        %dma_start3A_108 = arith.constant 0 : i32
        %dma_start3A_109 = tpu.memref_slice %arg12[%mul3A_103, %dma_start3A_108] : memref<10240x128xbf16, #tpu.memory_space<vmem_shared>> -> memref<640x128xbf16, #tpu.memory_space<vmem_shared>>
        tpu.enqueue_dma source(%dma_start3A_109 : memref<640x128xbf16, #tpu.memory_space<vmem_shared>>) target(%dma_start3A_107 : memref<640x128xbf16, #tpu.memory_space<hbm>>) target_semaphore(%run_scoped3A : memref<!tpu.dma_semaphore, #tpu.memory_space<semaphore_mem>>)
        %dma_wait3A = arith.constant 0 : i32
        %dma_wait3A_110 = tpu.memref_slice %arg8[%mul3A_105, %dma_wait3A] : memref<10240x128xbf16, #tpu.memory_space<hbm>> -> memref<640x128xbf16, #tpu.memory_space<hbm>>
        %dma_wait3A_111 = arith.constant 0 : i32
        %dma_wait3A_112 = tpu.memref_slice %arg12[%mul3A_103, %dma_wait3A_111] : memref<10240x128xbf16, #tpu.memory_space<vmem_shared>> -> memref<640x128xbf16, #tpu.memory_space<vmem_shared>>
        tpu.wait_dma2 semaphore(%run_scoped3A : memref<!tpu.dma_semaphore, #tpu.memory_space<semaphore_mem>>) src(%dma_wait3A_112 : memref<640x128xbf16, #tpu.memory_space<vmem_shared>>) dst(%dma_wait3A_110 : memref<640x128xbf16, #tpu.memory_space<hbm>>)
        tpu.yield
      }) : () -> ()
    } else {
    }
    return
  }
}

#map = affine_map<(d0, d1) -> (0, 0)>
module attributes {stable_mosaic.version = 14 : i64} {
  func.func @_seg_body(%arg0: i32, %arg1: i32, %arg2: memref<10000x128xbf16, #tpu.memory_space<hbm>>, %arg3: memref<10000x128xbf16, #tpu.memory_space<hbm>>, %arg4: memref<1280x128xi32, #tpu.memory_space<hbm>>, %arg5: memref<1280x128xi32, #tpu.memory_space<hbm>>, %arg6: memref<640x128xbf16, #tpu.memory_space<hbm>>, %arg7: memref<10240x128xbf16, #tpu.memory_space<hbm>>, %arg8: memref<10240x128xbf16, #tpu.memory_space<hbm>>, %arg9: memref<80x128xi32, #tpu.memory_space<vmem>>, %arg10: memref<80x128xi32, #tpu.memory_space<vmem>>, %arg11: memref<6x128x128xbf16, #tpu.memory_space<vmem>>, %arg12: memref<10240x128xbf16, #tpu.memory_space<vmem_shared>>, %arg13: memref<!tpu.dma_semaphore, #tpu.memory_space<semaphore_mem>>, %arg14: memref<!tpu.dma_semaphore, #tpu.memory_space<semaphore_mem>>) attributes {dimension_semantics = [#tpu.dimension_semantics<core_parallel>, #tpu.dimension_semantics<subcore_parallel>], iteration_bounds = array<i64: 2, 16>, scalar_prefetch = 0 : i64, scratch_operands = 6 : i64, tpu.core_type = #tpu.core_type<sc_vector_subcore>, window_params = [{transform_indices = #map}, {transform_indices = #map}, {transform_indices = #map}, {transform_indices = #map}, {transform_indices = #map}, {transform_indices = #map}, {transform_indices = #map}]} {
    %mul3A = arith.constant 80 : i32
    %mul3A_0 = arith.muli %arg1, %mul3A : i32
    "tpu.region"() ({
      %run_scoped3A = tpu.sem_alloc : memref<!tpu.dma_semaphore, #tpu.memory_space<semaphore_mem>>
      %dma_start3A = arith.constant 0 : i32
      %dma_start3A_8 = tpu.memref_slice %arg4[%mul3A_0, %dma_start3A] : memref<1280x128xi32, #tpu.memory_space<hbm>> -> memref<80x128xi32, #tpu.memory_space<hbm>>
      %dma_start3A_9 = arith.constant 0 : i32
      %dma_start3A_10 = tpu.memref_slice %arg4[%mul3A_0, %dma_start3A_9] : memref<1280x128xi32, #tpu.memory_space<hbm>> -> memref<80x128xi32, #tpu.memory_space<hbm>>
      tpu.enqueue_dma source(%dma_start3A_10 : memref<80x128xi32, #tpu.memory_space<hbm>>) target(%arg9 : memref<80x128xi32, #tpu.memory_space<vmem>>) target_semaphore(%run_scoped3A : memref<!tpu.dma_semaphore, #tpu.memory_space<semaphore_mem>>)
      %dma_wait3A = arith.constant 0 : i32
      %dma_wait3A_11 = tpu.memref_slice %arg4[%mul3A_0, %dma_wait3A] : memref<1280x128xi32, #tpu.memory_space<hbm>> -> memref<80x128xi32, #tpu.memory_space<hbm>>
      %dma_wait3A_12 = arith.constant 0 : i32
      %dma_wait3A_13 = tpu.memref_slice %arg4[%mul3A_0, %dma_wait3A_12] : memref<1280x128xi32, #tpu.memory_space<hbm>> -> memref<80x128xi32, #tpu.memory_space<hbm>>
      tpu.wait_dma2 semaphore(%run_scoped3A : memref<!tpu.dma_semaphore, #tpu.memory_space<semaphore_mem>>) src(%dma_wait3A_13 : memref<80x128xi32, #tpu.memory_space<hbm>>) dst(%arg9 : memref<80x128xi32, #tpu.memory_space<vmem>>)
      tpu.yield
    }) : () -> ()
    "tpu.region"() ({
      %run_scoped3A = tpu.sem_alloc : memref<!tpu.dma_semaphore, #tpu.memory_space<semaphore_mem>>
      %dma_start3A = arith.constant 0 : i32
      %dma_start3A_8 = tpu.memref_slice %arg5[%mul3A_0, %dma_start3A] : memref<1280x128xi32, #tpu.memory_space<hbm>> -> memref<80x128xi32, #tpu.memory_space<hbm>>
      %dma_start3A_9 = arith.constant 0 : i32
      %dma_start3A_10 = tpu.memref_slice %arg5[%mul3A_0, %dma_start3A_9] : memref<1280x128xi32, #tpu.memory_space<hbm>> -> memref<80x128xi32, #tpu.memory_space<hbm>>
      tpu.enqueue_dma source(%dma_start3A_10 : memref<80x128xi32, #tpu.memory_space<hbm>>) target(%arg10 : memref<80x128xi32, #tpu.memory_space<vmem>>) target_semaphore(%run_scoped3A : memref<!tpu.dma_semaphore, #tpu.memory_space<semaphore_mem>>)
      %dma_wait3A = arith.constant 0 : i32
      %dma_wait3A_11 = tpu.memref_slice %arg5[%mul3A_0, %dma_wait3A] : memref<1280x128xi32, #tpu.memory_space<hbm>> -> memref<80x128xi32, #tpu.memory_space<hbm>>
      %dma_wait3A_12 = arith.constant 0 : i32
      %dma_wait3A_13 = tpu.memref_slice %arg5[%mul3A_0, %dma_wait3A_12] : memref<1280x128xi32, #tpu.memory_space<hbm>> -> memref<80x128xi32, #tpu.memory_space<hbm>>
      tpu.wait_dma2 semaphore(%run_scoped3A : memref<!tpu.dma_semaphore, #tpu.memory_space<semaphore_mem>>) src(%dma_wait3A_13 : memref<80x128xi32, #tpu.memory_space<hbm>>) dst(%arg10 : memref<80x128xi32, #tpu.memory_space<vmem>>)
      tpu.yield
    }) : () -> ()
    %eq3A = arith.constant 0 : i32
    %eq3A_1 = arith.cmpi eq, %arg0, %eq3A : i32
    %convert_element_type3A = arith.extui %eq3A_1 : i1 to i32
    %cond3A = arith.constant 0 : i32
    %cond3A_2 = arith.cmpi ne, %convert_element_type3A, %cond3A : i32
    scf.if %cond3A_2 {
      %mul3A_8 = arith.constant 640 : i32
      %mul3A_9 = arith.muli %arg1, %mul3A_8 : i32
      "tpu.region"() ({
        %run_scoped3A = tpu.sem_alloc : memref<!tpu.dma_semaphore, #tpu.memory_space<semaphore_mem>>
        %dma_start3A_106 = arith.constant 0 : i32
        %dma_start3A_107 = tpu.memref_slice %arg12[%mul3A_9, %dma_start3A_106] : memref<10240x128xbf16, #tpu.memory_space<vmem_shared>> -> memref<640x128xbf16, #tpu.memory_space<vmem_shared>>
        tpu.enqueue_dma source(%arg6 : memref<640x128xbf16, #tpu.memory_space<hbm>>) target(%dma_start3A_107 : memref<640x128xbf16, #tpu.memory_space<vmem_shared>>) target_semaphore(%run_scoped3A : memref<!tpu.dma_semaphore, #tpu.memory_space<semaphore_mem>>)
        %dma_wait3A = arith.constant 0 : i32
        %dma_wait3A_108 = tpu.memref_slice %arg12[%mul3A_9, %dma_wait3A] : memref<10240x128xbf16, #tpu.memory_space<vmem_shared>> -> memref<640x128xbf16, #tpu.memory_space<vmem_shared>>
        tpu.wait_dma2 semaphore(%run_scoped3A : memref<!tpu.dma_semaphore, #tpu.memory_space<semaphore_mem>>) src(%arg6 : memref<640x128xbf16, #tpu.memory_space<hbm>>) dst(%dma_wait3A_108 : memref<640x128xbf16, #tpu.memory_space<vmem_shared>>)
        tpu.yield
      }) : () -> ()
      %barrier3A = arith.constant 0 : index
      tpu.barrier barrier_id(%barrier3A)
      %rem3A = arith.constant 0 : i32
      %rem3A_10 = arith.constant 6 : i32
      %rem3A_11 = arith.remsi %rem3A, %rem3A_10 : i32
      %dma_start3A = arith.constant 0 : i32
      %dma_start3A_12 = arith.constant 0 : i32
      %dma_start3A_13 = arith.constant 0 : i32
      %dma_start3A_14 = tpu.memref_slice %arg11[%rem3A_11, %dma_start3A_12, %dma_start3A_13] : memref<6x128x128xbf16, #tpu.memory_space<vmem>> -> memref<1x128x128xbf16, #tpu.memory_space<vmem>>
      %dma_start3A_15 = tpu.memref_squeeze %dma_start3A_14 : memref<1x128x128xbf16, #tpu.memory_space<vmem>> -> memref<128x128xbf16, #tpu.memory_space<vmem>>
      %dma_start3A_16 = arith.constant 0 : i32
      %dma_start3A_17 = tpu.memref_slice %arg9[%dma_start3A, %dma_start3A_16] : memref<80x128xi32, #tpu.memory_space<vmem>> -> memref<1x128xi32, #tpu.memory_space<vmem>>
      %dma_start3A_18 = tpu.memref_squeeze %dma_start3A_17 : memref<1x128xi32, #tpu.memory_space<vmem>> -> memref<128xi32, #tpu.memory_space<vmem>>
      %dma_start3A_19 = arith.constant 0 : i32
      %dma_start3A_20 = arith.constant 0 : i32
      %dma_start3A_21 = tpu.memref_slice %arg2[%dma_start3A_19, %dma_start3A_20] : memref<10000x128xbf16, #tpu.memory_space<hbm>> -> memref<10000x128xbf16, #tpu.memory_space<hbm>>
      tpu.enqueue_indirect_dma source(%dma_start3A_21 : memref<10000x128xbf16, #tpu.memory_space<hbm>>) target(%dma_start3A_15 : memref<128x128xbf16, #tpu.memory_space<vmem>>) offsets(%dma_start3A_18 : memref<128xi32, #tpu.memory_space<vmem>>) semaphore(%arg13 : memref<!tpu.dma_semaphore, #tpu.memory_space<semaphore_mem>>)
      %rem3A_22 = arith.constant 1 : i32
      %rem3A_23 = arith.constant 6 : i32
      %rem3A_24 = arith.remsi %rem3A_22, %rem3A_23 : i32
      %dma_start3A_25 = arith.constant 0 : i32
      %dma_start3A_26 = arith.constant 0 : i32
      %dma_start3A_27 = arith.constant 0 : i32
      %dma_start3A_28 = tpu.memref_slice %arg11[%rem3A_24, %dma_start3A_26, %dma_start3A_27] : memref<6x128x128xbf16, #tpu.memory_space<vmem>> -> memref<1x128x128xbf16, #tpu.memory_space<vmem>>
      %dma_start3A_29 = tpu.memref_squeeze %dma_start3A_28 : memref<1x128x128xbf16, #tpu.memory_space<vmem>> -> memref<128x128xbf16, #tpu.memory_space<vmem>>
      %dma_start3A_30 = arith.constant 0 : i32
      %dma_start3A_31 = tpu.memref_slice %arg9[%dma_start3A_25, %dma_start3A_30] : memref<80x128xi32, #tpu.memory_space<vmem>> -> memref<1x128xi32, #tpu.memory_space<vmem>>
      %dma_start3A_32 = tpu.memref_squeeze %dma_start3A_31 : memref<1x128xi32, #tpu.memory_space<vmem>> -> memref<128xi32, #tpu.memory_space<vmem>>
      %dma_start3A_33 = arith.constant 0 : i32
      %dma_start3A_34 = arith.constant 0 : i32
      %dma_start3A_35 = tpu.memref_slice %arg2[%dma_start3A_33, %dma_start3A_34] : memref<10000x128xbf16, #tpu.memory_space<hbm>> -> memref<10000x128xbf16, #tpu.memory_space<hbm>>
      tpu.enqueue_indirect_dma source(%dma_start3A_35 : memref<10000x128xbf16, #tpu.memory_space<hbm>>) target(%dma_start3A_29 : memref<128x128xbf16, #tpu.memory_space<vmem>>) offsets(%dma_start3A_32 : memref<128xi32, #tpu.memory_space<vmem>>) semaphore(%arg13 : memref<!tpu.dma_semaphore, #tpu.memory_space<semaphore_mem>>)
      %rem3A_36 = arith.constant 2 : i32
      %rem3A_37 = arith.constant 6 : i32
      %rem3A_38 = arith.remsi %rem3A_36, %rem3A_37 : i32
      %dma_start3A_39 = arith.constant 0 : i32
      %dma_start3A_40 = arith.constant 0 : i32
      %dma_start3A_41 = arith.constant 0 : i32
      %dma_start3A_42 = tpu.memref_slice %arg11[%rem3A_38, %dma_start3A_40, %dma_start3A_41] : memref<6x128x128xbf16, #tpu.memory_space<vmem>> -> memref<1x128x128xbf16, #tpu.memory_space<vmem>>
      %dma_start3A_43 = tpu.memref_squeeze %dma_start3A_42 : memref<1x128x128xbf16, #tpu.memory_space<vmem>> -> memref<128x128xbf16, #tpu.memory_space<vmem>>
      %dma_start3A_44 = arith.constant 0 : i32
      %dma_start3A_45 = tpu.memref_slice %arg9[%dma_start3A_39, %dma_start3A_44] : memref<80x128xi32, #tpu.memory_space<vmem>> -> memref<1x128xi32, #tpu.memory_space<vmem>>
      %dma_start3A_46 = tpu.memref_squeeze %dma_start3A_45 : memref<1x128xi32, #tpu.memory_space<vmem>> -> memref<128xi32, #tpu.memory_space<vmem>>
      %dma_start3A_47 = arith.constant 0 : i32
      %dma_start3A_48 = arith.constant 0 : i32
      %dma_start3A_49 = tpu.memref_slice %arg2[%dma_start3A_47, %dma_start3A_48] : memref<10000x128xbf16, #tpu.memory_space<hbm>> -> memref<10000x128xbf16, #tpu.memory_space<hbm>>
      tpu.enqueue_indirect_dma source(%dma_start3A_49 : memref<10000x128xbf16, #tpu.memory_space<hbm>>) target(%dma_start3A_43 : memref<128x128xbf16, #tpu.memory_space<vmem>>) offsets(%dma_start3A_46 : memref<128xi32, #tpu.memory_space<vmem>>) semaphore(%arg13 : memref<!tpu.dma_semaphore, #tpu.memory_space<semaphore_mem>>)
      %rem3A_50 = arith.constant 3 : i32
      %rem3A_51 = arith.constant 6 : i32
      %rem3A_52 = arith.remsi %rem3A_50, %rem3A_51 : i32
      %dma_start3A_53 = arith.constant 0 : i32
      %dma_start3A_54 = arith.constant 0 : i32
      %dma_start3A_55 = arith.constant 0 : i32
      %dma_start3A_56 = tpu.memref_slice %arg11[%rem3A_52, %dma_start3A_54, %dma_start3A_55] : memref<6x128x128xbf16, #tpu.memory_space<vmem>> -> memref<1x128x128xbf16, #tpu.memory_space<vmem>>
      %dma_start3A_57 = tpu.memref_squeeze %dma_start3A_56 : memref<1x128x128xbf16, #tpu.memory_space<vmem>> -> memref<128x128xbf16, #tpu.memory_space<vmem>>
      %dma_start3A_58 = arith.constant 0 : i32
      %dma_start3A_59 = tpu.memref_slice %arg9[%dma_start3A_53, %dma_start3A_58] : memref<80x128xi32, #tpu.memory_space<vmem>> -> memref<1x128xi32, #tpu.memory_space<vmem>>
      %dma_start3A_60 = tpu.memref_squeeze %dma_start3A_59 : memref<1x128xi32, #tpu.memory_space<vmem>> -> memref<128xi32, #tpu.memory_space<vmem>>
      %dma_start3A_61 = arith.constant 0 : i32
      %dma_start3A_62 = arith.constant 0 : i32
      %dma_start3A_63 = tpu.memref_slice %arg2[%dma_start3A_61, %dma_start3A_62] : memref<10000x128xbf16, #tpu.memory_space<hbm>> -> memref<10000x128xbf16, #tpu.memory_space<hbm>>
      tpu.enqueue_indirect_dma source(%dma_start3A_63 : memref<10000x128xbf16, #tpu.memory_space<hbm>>) target(%dma_start3A_57 : memref<128x128xbf16, #tpu.memory_space<vmem>>) offsets(%dma_start3A_60 : memref<128xi32, #tpu.memory_space<vmem>>) semaphore(%arg13 : memref<!tpu.dma_semaphore, #tpu.memory_space<semaphore_mem>>)
      %rem3A_64 = arith.constant 4 : i32
      %rem3A_65 = arith.constant 6 : i32
      %rem3A_66 = arith.remsi %rem3A_64, %rem3A_65 : i32
      %dma_start3A_67 = arith.constant 0 : i32
      %dma_start3A_68 = arith.constant 0 : i32
      %dma_start3A_69 = arith.constant 0 : i32
      %dma_start3A_70 = tpu.memref_slice %arg11[%rem3A_66, %dma_start3A_68, %dma_start3A_69] : memref<6x128x128xbf16, #tpu.memory_space<vmem>> -> memref<1x128x128xbf16, #tpu.memory_space<vmem>>
      %dma_start3A_71 = tpu.memref_squeeze %dma_start3A_70 : memref<1x128x128xbf16, #tpu.memory_space<vmem>> -> memref<128x128xbf16, #tpu.memory_space<vmem>>
      %dma_start3A_72 = arith.constant 0 : i32
      %dma_start3A_73 = tpu.memref_slice %arg9[%dma_start3A_67, %dma_start3A_72] : memref<80x128xi32, #tpu.memory_space<vmem>> -> memref<1x128xi32, #tpu.memory_space<vmem>>
      %dma_start3A_74 = tpu.memref_squeeze %dma_start3A_73 : memref<1x128xi32, #tpu.memory_space<vmem>> -> memref<128xi32, #tpu.memory_space<vmem>>
      %dma_start3A_75 = arith.constant 0 : i32
      %dma_start3A_76 = arith.constant 0 : i32
      %dma_start3A_77 = tpu.memref_slice %arg2[%dma_start3A_75, %dma_start3A_76] : memref<10000x128xbf16, #tpu.memory_space<hbm>> -> memref<10000x128xbf16, #tpu.memory_space<hbm>>
      tpu.enqueue_indirect_dma source(%dma_start3A_77 : memref<10000x128xbf16, #tpu.memory_space<hbm>>) target(%dma_start3A_71 : memref<128x128xbf16, #tpu.memory_space<vmem>>) offsets(%dma_start3A_74 : memref<128xi32, #tpu.memory_space<vmem>>) semaphore(%arg13 : memref<!tpu.dma_semaphore, #tpu.memory_space<semaphore_mem>>)
      %rem3A_78 = arith.constant 5 : i32
      %rem3A_79 = arith.constant 6 : i32
      %rem3A_80 = arith.remsi %rem3A_78, %rem3A_79 : i32
      %dma_start3A_81 = arith.constant 0 : i32
      %dma_start3A_82 = arith.constant 0 : i32
      %dma_start3A_83 = arith.constant 0 : i32
      %dma_start3A_84 = tpu.memref_slice %arg11[%rem3A_80, %dma_start3A_82, %dma_start3A_83] : memref<6x128x128xbf16, #tpu.memory_space<vmem>> -> memref<1x128x128xbf16, #tpu.memory_space<vmem>>
      %dma_start3A_85 = tpu.memref_squeeze %dma_start3A_84 : memref<1x128x128xbf16, #tpu.memory_space<vmem>> -> memref<128x128xbf16, #tpu.memory_space<vmem>>
      %dma_start3A_86 = arith.constant 0 : i32
      %dma_start3A_87 = tpu.memref_slice %arg9[%dma_start3A_81, %dma_start3A_86] : memref<80x128xi32, #tpu.memory_space<vmem>> -> memref<1x128xi32, #tpu.memory_space<vmem>>
      %dma_start3A_88 = tpu.memref_squeeze %dma_start3A_87 : memref<1x128xi32, #tpu.memory_space<vmem>> -> memref<128xi32, #tpu.memory_space<vmem>>
      %dma_start3A_89 = arith.constant 0 : i32
      %dma_start3A_90 = arith.constant 0 : i32
      %dma_start3A_91 = tpu.memref_slice %arg2[%dma_start3A_89, %dma_start3A_90] : memref<10000x128xbf16, #tpu.memory_space<hbm>> -> memref<10000x128xbf16, #tpu.memory_space<hbm>>
      tpu.enqueue_indirect_dma source(%dma_start3A_91 : memref<10000x128xbf16, #tpu.memory_space<hbm>>) target(%dma_start3A_85 : memref<128x128xbf16, #tpu.memory_space<vmem>>) offsets(%dma_start3A_88 : memref<128xi32, #tpu.memory_space<vmem>>) semaphore(%arg13 : memref<!tpu.dma_semaphore, #tpu.memory_space<semaphore_mem>>)
      %scan3A = arith.constant 0 : i32
      %scan3A_92 = arith.constant 80 : i32
      %scan3A_93 = arith.addi %scan3A, %scan3A_92 : i32
      %scan3A_94 = arith.constant 1 : i32
      scf.for %scan3A_106 = %scan3A to %scan3A_93 step %scan3A_94  : i32 {
        %mul3A_107 = arith.constant 1 : i32
        %mul3A_108 = arith.muli %scan3A_106, %mul3A_107 : i32
        %add3A = arith.constant 0 : i32
        %add3A_109 = arith.addi %add3A, %mul3A_108 : i32
        %rem3A_110 = arith.constant 6 : i32
        %rem3A_111 = arith.remsi %add3A_109, %rem3A_110 : i32
        %dma_wait3A = arith.constant 0 : i32
        %dma_wait3A_112 = arith.constant 0 : i32
        %dma_wait3A_113 = tpu.memref_slice %arg11[%rem3A_111, %dma_wait3A, %dma_wait3A_112] : memref<6x128x128xbf16, #tpu.memory_space<vmem>> -> memref<1x128x128xbf16, #tpu.memory_space<vmem>>
        %dma_wait3A_114 = tpu.memref_squeeze %dma_wait3A_113 : memref<1x128x128xbf16, #tpu.memory_space<vmem>> -> memref<128x128xbf16, #tpu.memory_space<vmem>>
        %dma_wait3A_115 = arith.constant 0 : i32
        %dma_wait3A_116 = tpu.memref_slice %arg9[%add3A_109, %dma_wait3A_115] : memref<80x128xi32, #tpu.memory_space<vmem>> -> memref<1x128xi32, #tpu.memory_space<vmem>>
        %dma_wait3A_117 = tpu.memref_squeeze %dma_wait3A_116 : memref<1x128xi32, #tpu.memory_space<vmem>> -> memref<128xi32, #tpu.memory_space<vmem>>
        %dma_wait3A_118 = arith.constant 0 : i32
        %dma_wait3A_119 = arith.constant 0 : i32
        %dma_wait3A_120 = tpu.memref_slice %arg2[%dma_wait3A_118, %dma_wait3A_119] : memref<10000x128xbf16, #tpu.memory_space<hbm>> -> memref<10000x128xbf16, #tpu.memory_space<hbm>>
        tpu.wait_indirect_dma semaphore(%arg13 : memref<!tpu.dma_semaphore, #tpu.memory_space<semaphore_mem>>) src(%dma_wait3A_120 : memref<10000x128xbf16, #tpu.memory_space<hbm>>) dst(%dma_wait3A_114 : memref<128x128xbf16, #tpu.memory_space<vmem>>)
        %rem3A_121 = arith.constant 6 : i32
        %rem3A_122 = arith.remsi %add3A_109, %rem3A_121 : i32
        %dma_start3A_123 = arith.constant 0 : i32
        %dma_start3A_124 = arith.constant 0 : i32
        %dma_start3A_125 = tpu.memref_slice %arg11[%rem3A_122, %dma_start3A_123, %dma_start3A_124] : memref<6x128x128xbf16, #tpu.memory_space<vmem>> -> memref<1x128x128xbf16, #tpu.memory_space<vmem>>
        %dma_start3A_126 = tpu.memref_squeeze %dma_start3A_125 : memref<1x128x128xbf16, #tpu.memory_space<vmem>> -> memref<128x128xbf16, #tpu.memory_space<vmem>>
        %dma_start3A_127 = arith.constant 0 : i32
        %dma_start3A_128 = tpu.memref_slice %arg10[%add3A_109, %dma_start3A_127] : memref<80x128xi32, #tpu.memory_space<vmem>> -> memref<1x128xi32, #tpu.memory_space<vmem>>
        %dma_start3A_129 = tpu.memref_squeeze %dma_start3A_128 : memref<1x128xi32, #tpu.memory_space<vmem>> -> memref<128xi32, #tpu.memory_space<vmem>>
        %dma_start3A_130 = arith.constant 0 : i32
        %dma_start3A_131 = arith.constant 0 : i32
        %dma_start3A_132 = tpu.memref_slice %arg12[%dma_start3A_130, %dma_start3A_131] : memref<10240x128xbf16, #tpu.memory_space<vmem_shared>> -> memref<10240x128xbf16, #tpu.memory_space<vmem_shared>>
        tpu.enqueue_indirect_dma source(%dma_start3A_126 : memref<128x128xbf16, #tpu.memory_space<vmem>>) target(%dma_start3A_132 : memref<10240x128xbf16, #tpu.memory_space<vmem_shared>>) offsets(%dma_start3A_129 : memref<128xi32, #tpu.memory_space<vmem>>) semaphore(%arg14 : memref<!tpu.dma_semaphore, #tpu.memory_space<semaphore_mem>>) {add = true}
        %ge3A = arith.constant 2 : i32
        %ge3A_133 = arith.cmpi sge, %add3A_109, %ge3A : i32
        %convert_element_type3A_134 = arith.extui %ge3A_133 : i1 to i32
        %cond3A_135 = arith.constant 0 : i32
        %cond3A_136 = arith.cmpi ne, %convert_element_type3A_134, %cond3A_135 : i32
        scf.if %cond3A_136 {
          %sub3A = arith.constant 2 : i32
          %sub3A_137 = arith.subi %add3A_109, %sub3A : i32
          %rem3A_138 = arith.constant 6 : i32
          %rem3A_139 = arith.remsi %sub3A_137, %rem3A_138 : i32
          %dma_wait3A_140 = arith.constant 0 : i32
          %dma_wait3A_141 = arith.constant 0 : i32
          %dma_wait3A_142 = tpu.memref_slice %arg11[%rem3A_139, %dma_wait3A_140, %dma_wait3A_141] : memref<6x128x128xbf16, #tpu.memory_space<vmem>> -> memref<1x128x128xbf16, #tpu.memory_space<vmem>>
          %dma_wait3A_143 = tpu.memref_squeeze %dma_wait3A_142 : memref<1x128x128xbf16, #tpu.memory_space<vmem>> -> memref<128x128xbf16, #tpu.memory_space<vmem>>
          %dma_wait3A_144 = arith.constant 0 : i32
          %dma_wait3A_145 = tpu.memref_slice %arg10[%sub3A_137, %dma_wait3A_144] : memref<80x128xi32, #tpu.memory_space<vmem>> -> memref<1x128xi32, #tpu.memory_space<vmem>>
          %dma_wait3A_146 = tpu.memref_squeeze %dma_wait3A_145 : memref<1x128xi32, #tpu.memory_space<vmem>> -> memref<128xi32, #tpu.memory_space<vmem>>
          %dma_wait3A_147 = arith.constant 0 : i32
          %dma_wait3A_148 = arith.constant 0 : i32
          %dma_wait3A_149 = tpu.memref_slice %arg12[%dma_wait3A_147, %dma_wait3A_148] : memref<10240x128xbf16, #tpu.memory_space<vmem_shared>> -> memref<10240x128xbf16, #tpu.memory_space<vmem_shared>>
          tpu.wait_indirect_dma semaphore(%arg14 : memref<!tpu.dma_semaphore, #tpu.memory_space<semaphore_mem>>) src(%dma_wait3A_143 : memref<128x128xbf16, #tpu.memory_space<vmem>>) dst(%dma_wait3A_149 : memref<10240x128xbf16, #tpu.memory_space<vmem_shared>>)
          %add3A_150 = arith.constant 6 : i32
          %add3A_151 = arith.addi %add3A_109, %add3A_150 : i32
          %sub3A_152 = arith.constant 2 : i32
          %sub3A_153 = arith.subi %add3A_151, %sub3A_152 : i32
          %lt3A = arith.constant 80 : i32
          %lt3A_154 = arith.cmpi slt, %sub3A_153, %lt3A : i32
          %convert_element_type3A_155 = arith.extui %lt3A_154 : i1 to i32
          %cond3A_156 = arith.constant 0 : i32
          %cond3A_157 = arith.cmpi ne, %convert_element_type3A_155, %cond3A_156 : i32
          scf.if %cond3A_157 {
            %add3A_158 = arith.constant 6 : i32
            %add3A_159 = arith.addi %add3A_109, %add3A_158 : i32
            %sub3A_160 = arith.constant 2 : i32
            %sub3A_161 = arith.subi %add3A_159, %sub3A_160 : i32
            %rem3A_162 = arith.constant 6 : i32
            %rem3A_163 = arith.remsi %sub3A_161, %rem3A_162 : i32
            %dma_start3A_164 = arith.constant 0 : i32
            %dma_start3A_165 = arith.constant 0 : i32
            %dma_start3A_166 = arith.constant 0 : i32
            %dma_start3A_167 = tpu.memref_slice %arg11[%rem3A_163, %dma_start3A_165, %dma_start3A_166] : memref<6x128x128xbf16, #tpu.memory_space<vmem>> -> memref<1x128x128xbf16, #tpu.memory_space<vmem>>
            %dma_start3A_168 = tpu.memref_squeeze %dma_start3A_167 : memref<1x128x128xbf16, #tpu.memory_space<vmem>> -> memref<128x128xbf16, #tpu.memory_space<vmem>>
            %dma_start3A_169 = arith.constant 0 : i32
            %dma_start3A_170 = tpu.memref_slice %arg9[%dma_start3A_164, %dma_start3A_169] : memref<80x128xi32, #tpu.memory_space<vmem>> -> memref<1x128xi32, #tpu.memory_space<vmem>>
            %dma_start3A_171 = tpu.memref_squeeze %dma_start3A_170 : memref<1x128xi32, #tpu.memory_space<vmem>> -> memref<128xi32, #tpu.memory_space<vmem>>
            %dma_start3A_172 = arith.constant 0 : i32
            %dma_start3A_173 = arith.constant 0 : i32
            %dma_start3A_174 = tpu.memref_slice %arg2[%dma_start3A_172, %dma_start3A_173] : memref<10000x128xbf16, #tpu.memory_space<hbm>> -> memref<10000x128xbf16, #tpu.memory_space<hbm>>
            tpu.enqueue_indirect_dma source(%dma_start3A_174 : memref<10000x128xbf16, #tpu.memory_space<hbm>>) target(%dma_start3A_168 : memref<128x128xbf16, #tpu.memory_space<vmem>>) offsets(%dma_start3A_171 : memref<128xi32, #tpu.memory_space<vmem>>) semaphore(%arg13 : memref<!tpu.dma_semaphore, #tpu.memory_space<semaphore_mem>>)
          } else {
          }
        } else {
        }
      }
      %scan3A_95 = arith.constant 80 : i32
      %scan3A_96 = arith.constant 0 : i32
      %scan3A_97 = arith.constant 2 : i32
      %scan3A_98 = arith.addi %scan3A_96, %scan3A_97 : i32
      %scan3A_99 = arith.constant 1 : i32
      scf.for %scan3A_106 = %scan3A_96 to %scan3A_98 step %scan3A_99  : i32 {
        %mul3A_107 = arith.constant 1 : i32
        %mul3A_108 = arith.muli %scan3A_106, %mul3A_107 : i32
        %add3A = arith.constant 78 : i32
        %add3A_109 = arith.addi %add3A, %mul3A_108 : i32
        %rem3A_110 = arith.constant 6 : i32
        %rem3A_111 = arith.remsi %add3A_109, %rem3A_110 : i32
        %dma_wait3A = arith.constant 0 : i32
        %dma_wait3A_112 = arith.constant 0 : i32
        %dma_wait3A_113 = tpu.memref_slice %arg11[%rem3A_111, %dma_wait3A, %dma_wait3A_112] : memref<6x128x128xbf16, #tpu.memory_space<vmem>> -> memref<1x128x128xbf16, #tpu.memory_space<vmem>>
        %dma_wait3A_114 = tpu.memref_squeeze %dma_wait3A_113 : memref<1x128x128xbf16, #tpu.memory_space<vmem>> -> memref<128x128xbf16, #tpu.memory_space<vmem>>
        %dma_wait3A_115 = arith.constant 0 : i32
        %dma_wait3A_116 = tpu.memref_slice %arg10[%add3A_109, %dma_wait3A_115] : memref<80x128xi32, #tpu.memory_space<vmem>> -> memref<1x128xi32, #tpu.memory_space<vmem>>
        %dma_wait3A_117 = tpu.memref_squeeze %dma_wait3A_116 : memref<1x128xi32, #tpu.memory_space<vmem>> -> memref<128xi32, #tpu.memory_space<vmem>>
        %dma_wait3A_118 = arith.constant 0 : i32
        %dma_wait3A_119 = arith.constant 0 : i32
        %dma_wait3A_120 = tpu.memref_slice %arg12[%dma_wait3A_118, %dma_wait3A_119] : memref<10240x128xbf16, #tpu.memory_space<vmem_shared>> -> memref<10240x128xbf16, #tpu.memory_space<vmem_shared>>
        tpu.wait_indirect_dma semaphore(%arg14 : memref<!tpu.dma_semaphore, #tpu.memory_space<semaphore_mem>>) src(%dma_wait3A_114 : memref<128x128xbf16, #tpu.memory_space<vmem>>) dst(%dma_wait3A_120 : memref<10240x128xbf16, #tpu.memory_space<vmem_shared>>)
      }
      %scan3A_100 = arith.constant 2 : i32
      %barrier3A_101 = arith.constant 0 : index
      tpu.barrier barrier_id(%barrier3A_101)
      %mul3A_102 = arith.constant 640 : i32
      %mul3A_103 = arith.muli %arg1, %mul3A_102 : i32
      %mul3A_104 = arith.constant 640 : i32
      %mul3A_105 = arith.muli %arg1, %mul3A_104 : i32
      "tpu.region"() ({
        %run_scoped3A = tpu.sem_alloc : memref<!tpu.dma_semaphore, #tpu.memory_space<semaphore_mem>>
        %dma_start3A_106 = arith.constant 0 : i32
        %dma_start3A_107 = tpu.memref_slice %arg7[%mul3A_105, %dma_start3A_106] : memref<10240x128xbf16, #tpu.memory_space<hbm>> -> memref<640x128xbf16, #tpu.memory_space<hbm>>
        %dma_start3A_108 = arith.constant 0 : i32
        %dma_start3A_109 = tpu.memref_slice %arg12[%mul3A_103, %dma_start3A_108] : memref<10240x128xbf16, #tpu.memory_space<vmem_shared>> -> memref<640x128xbf16, #tpu.memory_space<vmem_shared>>
        tpu.enqueue_dma source(%dma_start3A_109 : memref<640x128xbf16, #tpu.memory_space<vmem_shared>>) target(%dma_start3A_107 : memref<640x128xbf16, #tpu.memory_space<hbm>>) target_semaphore(%run_scoped3A : memref<!tpu.dma_semaphore, #tpu.memory_space<semaphore_mem>>)
        %dma_wait3A = arith.constant 0 : i32
        %dma_wait3A_110 = tpu.memref_slice %arg7[%mul3A_105, %dma_wait3A] : memref<10240x128xbf16, #tpu.memory_space<hbm>> -> memref<640x128xbf16, #tpu.memory_space<hbm>>
        %dma_wait3A_111 = arith.constant 0 : i32
        %dma_wait3A_112 = tpu.memref_slice %arg12[%mul3A_103, %dma_wait3A_111] : memref<10240x128xbf16, #tpu.memory_space<vmem_shared>> -> memref<640x128xbf16, #tpu.memory_space<vmem_shared>>
        tpu.wait_dma2 semaphore(%run_scoped3A : memref<!tpu.dma_semaphore, #tpu.memory_space<semaphore_mem>>) src(%dma_wait3A_112 : memref<640x128xbf16, #tpu.memory_space<vmem_shared>>) dst(%dma_wait3A_110 : memref<640x128xbf16, #tpu.memory_space<hbm>>)
        tpu.yield
      }) : () -> ()
    } else {
    }
    %eq3A_3 = arith.constant 1 : i32
    %eq3A_4 = arith.cmpi eq, %arg0, %eq3A_3 : i32
    %convert_element_type3A_5 = arith.extui %eq3A_4 : i1 to i32
    %cond3A_6 = arith.constant 0 : i32
    %cond3A_7 = arith.cmpi ne, %convert_element_type3A_5, %cond3A_6 : i32
    scf.if %cond3A_7 {
      %mul3A_8 = arith.constant 640 : i32
      %mul3A_9 = arith.muli %arg1, %mul3A_8 : i32
      "tpu.region"() ({
        %run_scoped3A = tpu.sem_alloc : memref<!tpu.dma_semaphore, #tpu.memory_space<semaphore_mem>>
        %dma_start3A_106 = arith.constant 0 : i32
        %dma_start3A_107 = tpu.memref_slice %arg12[%mul3A_9, %dma_start3A_106] : memref<10240x128xbf16, #tpu.memory_space<vmem_shared>> -> memref<640x128xbf16, #tpu.memory_space<vmem_shared>>
        tpu.enqueue_dma source(%arg6 : memref<640x128xbf16, #tpu.memory_space<hbm>>) target(%dma_start3A_107 : memref<640x128xbf16, #tpu.memory_space<vmem_shared>>) target_semaphore(%run_scoped3A : memref<!tpu.dma_semaphore, #tpu.memory_space<semaphore_mem>>)
        %dma_wait3A = arith.constant 0 : i32
        %dma_wait3A_108 = tpu.memref_slice %arg12[%mul3A_9, %dma_wait3A] : memref<10240x128xbf16, #tpu.memory_space<vmem_shared>> -> memref<640x128xbf16, #tpu.memory_space<vmem_shared>>
        tpu.wait_dma2 semaphore(%run_scoped3A : memref<!tpu.dma_semaphore, #tpu.memory_space<semaphore_mem>>) src(%arg6 : memref<640x128xbf16, #tpu.memory_space<hbm>>) dst(%dma_wait3A_108 : memref<640x128xbf16, #tpu.memory_space<vmem_shared>>)
        tpu.yield
      }) : () -> ()
      %barrier3A = arith.constant 0 : index
      tpu.barrier barrier_id(%barrier3A)
      %rem3A = arith.constant 0 : i32
      %rem3A_10 = arith.constant 6 : i32
      %rem3A_11 = arith.remsi %rem3A, %rem3A_10 : i32
      %dma_start3A = arith.constant 0 : i32
      %dma_start3A_12 = arith.constant 0 : i32
      %dma_start3A_13 = arith.constant 0 : i32
      %dma_start3A_14 = tpu.memref_slice %arg11[%rem3A_11, %dma_start3A_12, %dma_start3A_13] : memref<6x128x128xbf16, #tpu.memory_space<vmem>> -> memref<1x128x128xbf16, #tpu.memory_space<vmem>>
      %dma_start3A_15 = tpu.memref_squeeze %dma_start3A_14 : memref<1x128x128xbf16, #tpu.memory_space<vmem>> -> memref<128x128xbf16, #tpu.memory_space<vmem>>
      %dma_start3A_16 = arith.constant 0 : i32
      %dma_start3A_17 = tpu.memref_slice %arg9[%dma_start3A, %dma_start3A_16] : memref<80x128xi32, #tpu.memory_space<vmem>> -> memref<1x128xi32, #tpu.memory_space<vmem>>
      %dma_start3A_18 = tpu.memref_squeeze %dma_start3A_17 : memref<1x128xi32, #tpu.memory_space<vmem>> -> memref<128xi32, #tpu.memory_space<vmem>>
      %dma_start3A_19 = arith.constant 0 : i32
      %dma_start3A_20 = arith.constant 0 : i32
      %dma_start3A_21 = tpu.memref_slice %arg3[%dma_start3A_19, %dma_start3A_20] : memref<10000x128xbf16, #tpu.memory_space<hbm>> -> memref<10000x128xbf16, #tpu.memory_space<hbm>>
      tpu.enqueue_indirect_dma source(%dma_start3A_21 : memref<10000x128xbf16, #tpu.memory_space<hbm>>) target(%dma_start3A_15 : memref<128x128xbf16, #tpu.memory_space<vmem>>) offsets(%dma_start3A_18 : memref<128xi32, #tpu.memory_space<vmem>>) semaphore(%arg13 : memref<!tpu.dma_semaphore, #tpu.memory_space<semaphore_mem>>)
      %rem3A_22 = arith.constant 1 : i32
      %rem3A_23 = arith.constant 6 : i32
      %rem3A_24 = arith.remsi %rem3A_22, %rem3A_23 : i32
      %dma_start3A_25 = arith.constant 0 : i32
      %dma_start3A_26 = arith.constant 0 : i32
      %dma_start3A_27 = arith.constant 0 : i32
      %dma_start3A_28 = tpu.memref_slice %arg11[%rem3A_24, %dma_start3A_26, %dma_start3A_27] : memref<6x128x128xbf16, #tpu.memory_space<vmem>> -> memref<1x128x128xbf16, #tpu.memory_space<vmem>>
      %dma_start3A_29 = tpu.memref_squeeze %dma_start3A_28 : memref<1x128x128xbf16, #tpu.memory_space<vmem>> -> memref<128x128xbf16, #tpu.memory_space<vmem>>
      %dma_start3A_30 = arith.constant 0 : i32
      %dma_start3A_31 = tpu.memref_slice %arg9[%dma_start3A_25, %dma_start3A_30] : memref<80x128xi32, #tpu.memory_space<vmem>> -> memref<1x128xi32, #tpu.memory_space<vmem>>
      %dma_start3A_32 = tpu.memref_squeeze %dma_start3A_31 : memref<1x128xi32, #tpu.memory_space<vmem>> -> memref<128xi32, #tpu.memory_space<vmem>>
      %dma_start3A_33 = arith.constant 0 : i32
      %dma_start3A_34 = arith.constant 0 : i32
      %dma_start3A_35 = tpu.memref_slice %arg3[%dma_start3A_33, %dma_start3A_34] : memref<10000x128xbf16, #tpu.memory_space<hbm>> -> memref<10000x128xbf16, #tpu.memory_space<hbm>>
      tpu.enqueue_indirect_dma source(%dma_start3A_35 : memref<10000x128xbf16, #tpu.memory_space<hbm>>) target(%dma_start3A_29 : memref<128x128xbf16, #tpu.memory_space<vmem>>) offsets(%dma_start3A_32 : memref<128xi32, #tpu.memory_space<vmem>>) semaphore(%arg13 : memref<!tpu.dma_semaphore, #tpu.memory_space<semaphore_mem>>)
      %rem3A_36 = arith.constant 2 : i32
      %rem3A_37 = arith.constant 6 : i32
      %rem3A_38 = arith.remsi %rem3A_36, %rem3A_37 : i32
      %dma_start3A_39 = arith.constant 0 : i32
      %dma_start3A_40 = arith.constant 0 : i32
      %dma_start3A_41 = arith.constant 0 : i32
      %dma_start3A_42 = tpu.memref_slice %arg11[%rem3A_38, %dma_start3A_40, %dma_start3A_41] : memref<6x128x128xbf16, #tpu.memory_space<vmem>> -> memref<1x128x128xbf16, #tpu.memory_space<vmem>>
      %dma_start3A_43 = tpu.memref_squeeze %dma_start3A_42 : memref<1x128x128xbf16, #tpu.memory_space<vmem>> -> memref<128x128xbf16, #tpu.memory_space<vmem>>
      %dma_start3A_44 = arith.constant 0 : i32
      %dma_start3A_45 = tpu.memref_slice %arg9[%dma_start3A_39, %dma_start3A_44] : memref<80x128xi32, #tpu.memory_space<vmem>> -> memref<1x128xi32, #tpu.memory_space<vmem>>
      %dma_start3A_46 = tpu.memref_squeeze %dma_start3A_45 : memref<1x128xi32, #tpu.memory_space<vmem>> -> memref<128xi32, #tpu.memory_space<vmem>>
      %dma_start3A_47 = arith.constant 0 : i32
      %dma_start3A_48 = arith.constant 0 : i32
      %dma_start3A_49 = tpu.memref_slice %arg3[%dma_start3A_47, %dma_start3A_48] : memref<10000x128xbf16, #tpu.memory_space<hbm>> -> memref<10000x128xbf16, #tpu.memory_space<hbm>>
      tpu.enqueue_indirect_dma source(%dma_start3A_49 : memref<10000x128xbf16, #tpu.memory_space<hbm>>) target(%dma_start3A_43 : memref<128x128xbf16, #tpu.memory_space<vmem>>) offsets(%dma_start3A_46 : memref<128xi32, #tpu.memory_space<vmem>>) semaphore(%arg13 : memref<!tpu.dma_semaphore, #tpu.memory_space<semaphore_mem>>)
      %rem3A_50 = arith.constant 3 : i32
      %rem3A_51 = arith.constant 6 : i32
      %rem3A_52 = arith.remsi %rem3A_50, %rem3A_51 : i32
      %dma_start3A_53 = arith.constant 0 : i32
      %dma_start3A_54 = arith.constant 0 : i32
      %dma_start3A_55 = arith.constant 0 : i32
      %dma_start3A_56 = tpu.memref_slice %arg11[%rem3A_52, %dma_start3A_54, %dma_start3A_55] : memref<6x128x128xbf16, #tpu.memory_space<vmem>> -> memref<1x128x128xbf16, #tpu.memory_space<vmem>>
      %dma_start3A_57 = tpu.memref_squeeze %dma_start3A_56 : memref<1x128x128xbf16, #tpu.memory_space<vmem>> -> memref<128x128xbf16, #tpu.memory_space<vmem>>
      %dma_start3A_58 = arith.constant 0 : i32
      %dma_start3A_59 = tpu.memref_slice %arg9[%dma_start3A_53, %dma_start3A_58] : memref<80x128xi32, #tpu.memory_space<vmem>> -> memref<1x128xi32, #tpu.memory_space<vmem>>
      %dma_start3A_60 = tpu.memref_squeeze %dma_start3A_59 : memref<1x128xi32, #tpu.memory_space<vmem>> -> memref<128xi32, #tpu.memory_space<vmem>>
      %dma_start3A_61 = arith.constant 0 : i32
      %dma_start3A_62 = arith.constant 0 : i32
      %dma_start3A_63 = tpu.memref_slice %arg3[%dma_start3A_61, %dma_start3A_62] : memref<10000x128xbf16, #tpu.memory_space<hbm>> -> memref<10000x128xbf16, #tpu.memory_space<hbm>>
      tpu.enqueue_indirect_dma source(%dma_start3A_63 : memref<10000x128xbf16, #tpu.memory_space<hbm>>) target(%dma_start3A_57 : memref<128x128xbf16, #tpu.memory_space<vmem>>) offsets(%dma_start3A_60 : memref<128xi32, #tpu.memory_space<vmem>>) semaphore(%arg13 : memref<!tpu.dma_semaphore, #tpu.memory_space<semaphore_mem>>)
      %rem3A_64 = arith.constant 4 : i32
      %rem3A_65 = arith.constant 6 : i32
      %rem3A_66 = arith.remsi %rem3A_64, %rem3A_65 : i32
      %dma_start3A_67 = arith.constant 0 : i32
      %dma_start3A_68 = arith.constant 0 : i32
      %dma_start3A_69 = arith.constant 0 : i32
      %dma_start3A_70 = tpu.memref_slice %arg11[%rem3A_66, %dma_start3A_68, %dma_start3A_69] : memref<6x128x128xbf16, #tpu.memory_space<vmem>> -> memref<1x128x128xbf16, #tpu.memory_space<vmem>>
      %dma_start3A_71 = tpu.memref_squeeze %dma_start3A_70 : memref<1x128x128xbf16, #tpu.memory_space<vmem>> -> memref<128x128xbf16, #tpu.memory_space<vmem>>
      %dma_start3A_72 = arith.constant 0 : i32
      %dma_start3A_73 = tpu.memref_slice %arg9[%dma_start3A_67, %dma_start3A_72] : memref<80x128xi32, #tpu.memory_space<vmem>> -> memref<1x128xi32, #tpu.memory_space<vmem>>
      %dma_start3A_74 = tpu.memref_squeeze %dma_start3A_73 : memref<1x128xi32, #tpu.memory_space<vmem>> -> memref<128xi32, #tpu.memory_space<vmem>>
      %dma_start3A_75 = arith.constant 0 : i32
      %dma_start3A_76 = arith.constant 0 : i32
      %dma_start3A_77 = tpu.memref_slice %arg3[%dma_start3A_75, %dma_start3A_76] : memref<10000x128xbf16, #tpu.memory_space<hbm>> -> memref<10000x128xbf16, #tpu.memory_space<hbm>>
      tpu.enqueue_indirect_dma source(%dma_start3A_77 : memref<10000x128xbf16, #tpu.memory_space<hbm>>) target(%dma_start3A_71 : memref<128x128xbf16, #tpu.memory_space<vmem>>) offsets(%dma_start3A_74 : memref<128xi32, #tpu.memory_space<vmem>>) semaphore(%arg13 : memref<!tpu.dma_semaphore, #tpu.memory_space<semaphore_mem>>)
      %rem3A_78 = arith.constant 5 : i32
      %rem3A_79 = arith.constant 6 : i32
      %rem3A_80 = arith.remsi %rem3A_78, %rem3A_79 : i32
      %dma_start3A_81 = arith.constant 0 : i32
      %dma_start3A_82 = arith.constant 0 : i32
      %dma_start3A_83 = arith.constant 0 : i32
      %dma_start3A_84 = tpu.memref_slice %arg11[%rem3A_80, %dma_start3A_82, %dma_start3A_83] : memref<6x128x128xbf16, #tpu.memory_space<vmem>> -> memref<1x128x128xbf16, #tpu.memory_space<vmem>>
      %dma_start3A_85 = tpu.memref_squeeze %dma_start3A_84 : memref<1x128x128xbf16, #tpu.memory_space<vmem>> -> memref<128x128xbf16, #tpu.memory_space<vmem>>
      %dma_start3A_86 = arith.constant 0 : i32
      %dma_start3A_87 = tpu.memref_slice %arg9[%dma_start3A_81, %dma_start3A_86] : memref<80x128xi32, #tpu.memory_space<vmem>> -> memref<1x128xi32, #tpu.memory_space<vmem>>
      %dma_start3A_88 = tpu.memref_squeeze %dma_start3A_87 : memref<1x128xi32, #tpu.memory_space<vmem>> -> memref<128xi32, #tpu.memory_space<vmem>>
      %dma_start3A_89 = arith.constant 0 : i32
      %dma_start3A_90 = arith.constant 0 : i32
      %dma_start3A_91 = tpu.memref_slice %arg3[%dma_start3A_89, %dma_start3A_90] : memref<10000x128xbf16, #tpu.memory_space<hbm>> -> memref<10000x128xbf16, #tpu.memory_space<hbm>>
      tpu.enqueue_indirect_dma source(%dma_start3A_91 : memref<10000x128xbf16, #tpu.memory_space<hbm>>) target(%dma_start3A_85 : memref<128x128xbf16, #tpu.memory_space<vmem>>) offsets(%dma_start3A_88 : memref<128xi32, #tpu.memory_space<vmem>>) semaphore(%arg13 : memref<!tpu.dma_semaphore, #tpu.memory_space<semaphore_mem>>)
      %scan3A = arith.constant 0 : i32
      %scan3A_92 = arith.constant 80 : i32
      %scan3A_93 = arith.addi %scan3A, %scan3A_92 : i32
      %scan3A_94 = arith.constant 1 : i32
      scf.for %scan3A_106 = %scan3A to %scan3A_93 step %scan3A_94  : i32 {
        %mul3A_107 = arith.constant 1 : i32
        %mul3A_108 = arith.muli %scan3A_106, %mul3A_107 : i32
        %add3A = arith.constant 0 : i32
        %add3A_109 = arith.addi %add3A, %mul3A_108 : i32
        %rem3A_110 = arith.constant 6 : i32
        %rem3A_111 = arith.remsi %add3A_109, %rem3A_110 : i32
        %dma_wait3A = arith.constant 0 : i32
        %dma_wait3A_112 = arith.constant 0 : i32
        %dma_wait3A_113 = tpu.memref_slice %arg11[%rem3A_111, %dma_wait3A, %dma_wait3A_112] : memref<6x128x128xbf16, #tpu.memory_space<vmem>> -> memref<1x128x128xbf16, #tpu.memory_space<vmem>>
        %dma_wait3A_114 = tpu.memref_squeeze %dma_wait3A_113 : memref<1x128x128xbf16, #tpu.memory_space<vmem>> -> memref<128x128xbf16, #tpu.memory_space<vmem>>
        %dma_wait3A_115 = arith.constant 0 : i32
        %dma_wait3A_116 = tpu.memref_slice %arg9[%add3A_109, %dma_wait3A_115] : memref<80x128xi32, #tpu.memory_space<vmem>> -> memref<1x128xi32, #tpu.memory_space<vmem>>
        %dma_wait3A_117 = tpu.memref_squeeze %dma_wait3A_116 : memref<1x128xi32, #tpu.memory_space<vmem>> -> memref<128xi32, #tpu.memory_space<vmem>>
        %dma_wait3A_118 = arith.constant 0 : i32
        %dma_wait3A_119 = arith.constant 0 : i32
        %dma_wait3A_120 = tpu.memref_slice %arg3[%dma_wait3A_118, %dma_wait3A_119] : memref<10000x128xbf16, #tpu.memory_space<hbm>> -> memref<10000x128xbf16, #tpu.memory_space<hbm>>
        tpu.wait_indirect_dma semaphore(%arg13 : memref<!tpu.dma_semaphore, #tpu.memory_space<semaphore_mem>>) src(%dma_wait3A_120 : memref<10000x128xbf16, #tpu.memory_space<hbm>>) dst(%dma_wait3A_114 : memref<128x128xbf16, #tpu.memory_space<vmem>>)
        %rem3A_121 = arith.constant 6 : i32
        %rem3A_122 = arith.remsi %add3A_109, %rem3A_121 : i32
        %dma_start3A_123 = arith.constant 0 : i32
        %dma_start3A_124 = arith.constant 0 : i32
        %dma_start3A_125 = tpu.memref_slice %arg11[%rem3A_122, %dma_start3A_123, %dma_start3A_124] : memref<6x128x128xbf16, #tpu.memory_space<vmem>> -> memref<1x128x128xbf16, #tpu.memory_space<vmem>>
        %dma_start3A_126 = tpu.memref_squeeze %dma_start3A_125 : memref<1x128x128xbf16, #tpu.memory_space<vmem>> -> memref<128x128xbf16, #tpu.memory_space<vmem>>
        %dma_start3A_127 = arith.constant 0 : i32
        %dma_start3A_128 = tpu.memref_slice %arg10[%add3A_109, %dma_start3A_127] : memref<80x128xi32, #tpu.memory_space<vmem>> -> memref<1x128xi32, #tpu.memory_space<vmem>>
        %dma_start3A_129 = tpu.memref_squeeze %dma_start3A_128 : memref<1x128xi32, #tpu.memory_space<vmem>> -> memref<128xi32, #tpu.memory_space<vmem>>
        %dma_start3A_130 = arith.constant 0 : i32
        %dma_start3A_131 = arith.constant 0 : i32
        %dma_start3A_132 = tpu.memref_slice %arg12[%dma_start3A_130, %dma_start3A_131] : memref<10240x128xbf16, #tpu.memory_space<vmem_shared>> -> memref<10240x128xbf16, #tpu.memory_space<vmem_shared>>
        tpu.enqueue_indirect_dma source(%dma_start3A_126 : memref<128x128xbf16, #tpu.memory_space<vmem>>) target(%dma_start3A_132 : memref<10240x128xbf16, #tpu.memory_space<vmem_shared>>) offsets(%dma_start3A_129 : memref<128xi32, #tpu.memory_space<vmem>>) semaphore(%arg14 : memref<!tpu.dma_semaphore, #tpu.memory_space<semaphore_mem>>) {add = true}
        %ge3A = arith.constant 2 : i32
        %ge3A_133 = arith.cmpi sge, %add3A_109, %ge3A : i32
        %convert_element_type3A_134 = arith.extui %ge3A_133 : i1 to i32
        %cond3A_135 = arith.constant 0 : i32
        %cond3A_136 = arith.cmpi ne, %convert_element_type3A_134, %cond3A_135 : i32
        scf.if %cond3A_136 {
          %sub3A = arith.constant 2 : i32
          %sub3A_137 = arith.subi %add3A_109, %sub3A : i32
          %rem3A_138 = arith.constant 6 : i32
          %rem3A_139 = arith.remsi %sub3A_137, %rem3A_138 : i32
          %dma_wait3A_140 = arith.constant 0 : i32
          %dma_wait3A_141 = arith.constant 0 : i32
          %dma_wait3A_142 = tpu.memref_slice %arg11[%rem3A_139, %dma_wait3A_140, %dma_wait3A_141] : memref<6x128x128xbf16, #tpu.memory_space<vmem>> -> memref<1x128x128xbf16, #tpu.memory_space<vmem>>
          %dma_wait3A_143 = tpu.memref_squeeze %dma_wait3A_142 : memref<1x128x128xbf16, #tpu.memory_space<vmem>> -> memref<128x128xbf16, #tpu.memory_space<vmem>>
          %dma_wait3A_144 = arith.constant 0 : i32
          %dma_wait3A_145 = tpu.memref_slice %arg10[%sub3A_137, %dma_wait3A_144] : memref<80x128xi32, #tpu.memory_space<vmem>> -> memref<1x128xi32, #tpu.memory_space<vmem>>
          %dma_wait3A_146 = tpu.memref_squeeze %dma_wait3A_145 : memref<1x128xi32, #tpu.memory_space<vmem>> -> memref<128xi32, #tpu.memory_space<vmem>>
          %dma_wait3A_147 = arith.constant 0 : i32
          %dma_wait3A_148 = arith.constant 0 : i32
          %dma_wait3A_149 = tpu.memref_slice %arg12[%dma_wait3A_147, %dma_wait3A_148] : memref<10240x128xbf16, #tpu.memory_space<vmem_shared>> -> memref<10240x128xbf16, #tpu.memory_space<vmem_shared>>
          tpu.wait_indirect_dma semaphore(%arg14 : memref<!tpu.dma_semaphore, #tpu.memory_space<semaphore_mem>>) src(%dma_wait3A_143 : memref<128x128xbf16, #tpu.memory_space<vmem>>) dst(%dma_wait3A_149 : memref<10240x128xbf16, #tpu.memory_space<vmem_shared>>)
          %add3A_150 = arith.constant 6 : i32
          %add3A_151 = arith.addi %add3A_109, %add3A_150 : i32
          %sub3A_152 = arith.constant 2 : i32
          %sub3A_153 = arith.subi %add3A_151, %sub3A_152 : i32
          %lt3A = arith.constant 80 : i32
          %lt3A_154 = arith.cmpi slt, %sub3A_153, %lt3A : i32
          %convert_element_type3A_155 = arith.extui %lt3A_154 : i1 to i32
          %cond3A_156 = arith.constant 0 : i32
          %cond3A_157 = arith.cmpi ne, %convert_element_type3A_155, %cond3A_156 : i32
          scf.if %cond3A_157 {
            %add3A_158 = arith.constant 6 : i32
            %add3A_159 = arith.addi %add3A_109, %add3A_158 : i32
            %sub3A_160 = arith.constant 2 : i32
            %sub3A_161 = arith.subi %add3A_159, %sub3A_160 : i32
            %rem3A_162 = arith.constant 6 : i32
            %rem3A_163 = arith.remsi %sub3A_161, %rem3A_162 : i32
            %dma_start3A_164 = arith.constant 0 : i32
            %dma_start3A_165 = arith.constant 0 : i32
            %dma_start3A_166 = arith.constant 0 : i32
            %dma_start3A_167 = tpu.memref_slice %arg11[%rem3A_163, %dma_start3A_165, %dma_start3A_166] : memref<6x128x128xbf16, #tpu.memory_space<vmem>> -> memref<1x128x128xbf16, #tpu.memory_space<vmem>>
            %dma_start3A_168 = tpu.memref_squeeze %dma_start3A_167 : memref<1x128x128xbf16, #tpu.memory_space<vmem>> -> memref<128x128xbf16, #tpu.memory_space<vmem>>
            %dma_start3A_169 = arith.constant 0 : i32
            %dma_start3A_170 = tpu.memref_slice %arg9[%dma_start3A_164, %dma_start3A_169] : memref<80x128xi32, #tpu.memory_space<vmem>> -> memref<1x128xi32, #tpu.memory_space<vmem>>
            %dma_start3A_171 = tpu.memref_squeeze %dma_start3A_170 : memref<1x128xi32, #tpu.memory_space<vmem>> -> memref<128xi32, #tpu.memory_space<vmem>>
            %dma_start3A_172 = arith.constant 0 : i32
            %dma_start3A_173 = arith.constant 0 : i32
            %dma_start3A_174 = tpu.memref_slice %arg3[%dma_start3A_172, %dma_start3A_173] : memref<10000x128xbf16, #tpu.memory_space<hbm>> -> memref<10000x128xbf16, #tpu.memory_space<hbm>>
            tpu.enqueue_indirect_dma source(%dma_start3A_174 : memref<10000x128xbf16, #tpu.memory_space<hbm>>) target(%dma_start3A_168 : memref<128x128xbf16, #tpu.memory_space<vmem>>) offsets(%dma_start3A_171 : memref<128xi32, #tpu.memory_space<vmem>>) semaphore(%arg13 : memref<!tpu.dma_semaphore, #tpu.memory_space<semaphore_mem>>)
          } else {
          }
        } else {
        }
      }
      %scan3A_95 = arith.constant 80 : i32
      %scan3A_96 = arith.constant 0 : i32
      %scan3A_97 = arith.constant 2 : i32
      %scan3A_98 = arith.addi %scan3A_96, %scan3A_97 : i32
      %scan3A_99 = arith.constant 1 : i32
      scf.for %scan3A_106 = %scan3A_96 to %scan3A_98 step %scan3A_99  : i32 {
        %mul3A_107 = arith.constant 1 : i32
        %mul3A_108 = arith.muli %scan3A_106, %mul3A_107 : i32
        %add3A = arith.constant 78 : i32
        %add3A_109 = arith.addi %add3A, %mul3A_108 : i32
        %rem3A_110 = arith.constant 6 : i32
        %rem3A_111 = arith.remsi %add3A_109, %rem3A_110 : i32
        %dma_wait3A = arith.constant 0 : i32
        %dma_wait3A_112 = arith.constant 0 : i32
        %dma_wait3A_113 = tpu.memref_slice %arg11[%rem3A_111, %dma_wait3A, %dma_wait3A_112] : memref<6x128x128xbf16, #tpu.memory_space<vmem>> -> memref<1x128x128xbf16, #tpu.memory_space<vmem>>
        %dma_wait3A_114 = tpu.memref_squeeze %dma_wait3A_113 : memref<1x128x128xbf16, #tpu.memory_space<vmem>> -> memref<128x128xbf16, #tpu.memory_space<vmem>>
        %dma_wait3A_115 = arith.constant 0 : i32
        %dma_wait3A_116 = tpu.memref_slice %arg10[%add3A_109, %dma_wait3A_115] : memref<80x128xi32, #tpu.memory_space<vmem>> -> memref<1x128xi32, #tpu.memory_space<vmem>>
        %dma_wait3A_117 = tpu.memref_squeeze %dma_wait3A_116 : memref<1x128xi32, #tpu.memory_space<vmem>> -> memref<128xi32, #tpu.memory_space<vmem>>
        %dma_wait3A_118 = arith.constant 0 : i32
        %dma_wait3A_119 = arith.constant 0 : i32
        %dma_wait3A_120 = tpu.memref_slice %arg12[%dma_wait3A_118, %dma_wait3A_119] : memref<10240x128xbf16, #tpu.memory_space<vmem_shared>> -> memref<10240x128xbf16, #tpu.memory_space<vmem_shared>>
        tpu.wait_indirect_dma semaphore(%arg14 : memref<!tpu.dma_semaphore, #tpu.memory_space<semaphore_mem>>) src(%dma_wait3A_114 : memref<128x128xbf16, #tpu.memory_space<vmem>>) dst(%dma_wait3A_120 : memref<10240x128xbf16, #tpu.memory_space<vmem_shared>>)
      }
      %scan3A_100 = arith.constant 2 : i32
      %barrier3A_101 = arith.constant 0 : index
      tpu.barrier barrier_id(%barrier3A_101)
      %mul3A_102 = arith.constant 640 : i32
      %mul3A_103 = arith.muli %arg1, %mul3A_102 : i32
      %mul3A_104 = arith.constant 640 : i32
      %mul3A_105 = arith.muli %arg1, %mul3A_104 : i32
      "tpu.region"() ({
        %run_scoped3A = tpu.sem_alloc : memref<!tpu.dma_semaphore, #tpu.memory_space<semaphore_mem>>
        %dma_start3A_106 = arith.constant 0 : i32
        %dma_start3A_107 = tpu.memref_slice %arg8[%mul3A_105, %dma_start3A_106] : memref<10240x128xbf16, #tpu.memory_space<hbm>> -> memref<640x128xbf16, #tpu.memory_space<hbm>>
        %dma_start3A_108 = arith.constant 0 : i32
        %dma_start3A_109 = tpu.memref_slice %arg12[%mul3A_103, %dma_start3A_108] : memref<10240x128xbf16, #tpu.memory_space<vmem_shared>> -> memref<640x128xbf16, #tpu.memory_space<vmem_shared>>
        tpu.enqueue_dma source(%dma_start3A_109 : memref<640x128xbf16, #tpu.memory_space<vmem_shared>>) target(%dma_start3A_107 : memref<640x128xbf16, #tpu.memory_space<hbm>>) target_semaphore(%run_scoped3A : memref<!tpu.dma_semaphore, #tpu.memory_space<semaphore_mem>>)
        %dma_wait3A = arith.constant 0 : i32
        %dma_wait3A_110 = tpu.memref_slice %arg8[%mul3A_105, %dma_wait3A] : memref<10240x128xbf16, #tpu.memory_space<hbm>> -> memref<640x128xbf16, #tpu.memory_space<hbm>>
        %dma_wait3A_111 = arith.constant 0 : i32
        %dma_wait3A_112 = tpu.memref_slice %arg12[%mul3A_103, %dma_wait3A_111] : memref<10240x128xbf16, #tpu.memory_space<vmem_shared>> -> memref<640x128xbf16, #tpu.memory_space<vmem_shared>>
        tpu.wait_dma2 semaphore(%run_scoped3A : memref<!tpu.dma_semaphore, #tpu.memory_space<semaphore_mem>>) src(%dma_wait3A_112 : memref<640x128xbf16, #tpu.memory_space<vmem_shared>>) dst(%dma_wait3A_110 : memref<640x128xbf16, #tpu.memory_space<hbm>>)
        tpu.yield
      }) : () -> ()
    } else {
    }
    return
  }
}

module attributes {stable_mosaic.version = 14 : i64} {
  func.func @_tc1_body(%arg0: i32, %arg1: memref<400x256xf32, #tpu.memory_space<vmem>>, %arg2: memref<256x256xf32, #tpu.memory_space<vmem>>, %arg3: memref<2x400x16xf32, #tpu.memory_space<vmem>>, %arg4: memref<400x128xbf16, #tpu.memory_space<vmem>>, %arg5: memref<400x128xbf16, #tpu.memory_space<vmem>>) attributes {dimension_semantics = [#tpu.dimension_semantics<arbitrary>], iteration_bounds = array<i64: 25>, scalar_prefetch = 0 : i64, scratch_operands = 0 : i64, tpu.core_type = #tpu.core_type<tc>, window_params = [{transform_indices = @transform_0, window_bounds = array<i64: 400, 256>}, {pipeline_mode = #tpu.pipeline_mode<synchronous>, transform_indices = @transform_1, window_bounds = array<i64: 256, 256>}, {transform_indices = @transform_2, window_bounds = array<i64: 2, 400, 16>}, {transform_indices = @transform_3, window_bounds = array<i64: 400, 128>}, {transform_indices = @transform_4, window_bounds = array<i64: 400, 128>}]} {
    %get3A = arith.constant 0 : index
    %get3A_0 = arith.constant 0 : index
    %get3A_1 = arith.constant 0 : index
    %get3A_2 = vector.load %arg3[%get3A, %get3A_0, %get3A_1] : memref<2x400x16xf32, #tpu.memory_space<vmem>>, vector<1x400x16xf32>
    %get3A_3 = vector.shape_cast %get3A_2 : vector<1x400x16xf32> to vector<400x16xf32>
    %slice3A = vector.extract_strided_slice %get3A_3 {offsets = [0, 0], sizes = [400, 1], strides = [1, 1]} : vector<400x16xf32> to vector<400x1xf32>
    %add3A = arith.constant 1.000000e+00 : f32
    %add3A_4 = vector.broadcast %add3A : f32 to vector<400x1xf32>
    %add3A_5 = arith.addf %add3A_4, %slice3A : vector<400x1xf32>
    %get3A_6 = arith.constant 1 : index
    %get3A_7 = arith.constant 0 : index
    %get3A_8 = arith.constant 0 : index
    %get3A_9 = vector.load %arg3[%get3A_6, %get3A_7, %get3A_8] : memref<2x400x16xf32, #tpu.memory_space<vmem>>, vector<1x400x16xf32>
    %get3A_10 = vector.shape_cast %get3A_9 : vector<1x400x16xf32> to vector<400x16xf32>
    %slice3A_11 = vector.extract_strided_slice %get3A_10 {offsets = [0, 0], sizes = [400, 1], strides = [1, 1]} : vector<400x16xf32> to vector<400x1xf32>
    %add3A_12 = arith.addf %add3A_5, %slice3A_11 : vector<400x1xf32>
    %rsqrt3A = math.rsqrt %add3A_12 : vector<400x1xf32>
    %get3A_13 = arith.constant 0 : index
    %get3A_14 = arith.constant 0 : index
    %get3A_15 = vector.load %arg1[%get3A_13, %get3A_14] : memref<400x256xf32, #tpu.memory_space<vmem>>, vector<400x256xf32>
    %get3A_16 = arith.constant 0 : index
    %get3A_17 = arith.constant 0 : index
    %get3A_18 = vector.load %arg2[%get3A_16, %get3A_17] : memref<256x256xf32, #tpu.memory_space<vmem>>, vector<256x256xf32>
    %dot_general3A = arith.constant dense<0.000000e+00> : vector<400x256xf32>
    %dot_general3A_19 = tpu.matmul %get3A_15, %get3A_18, %dot_general3A {dimension_numbers = #tpu.dot_dimension_numbers<[1], [0], [0], [1], [0, 0, 1, 1], [], []>, transpose_lhs_hint = false} : vector<400x256xf32>, vector<256x256xf32>, vector<400x256xf32> -> vector<400x256xf32>
    %mul3A = vector.broadcast %rsqrt3A : vector<400x1xf32> to vector<400x256xf32>
    %mul3A_20 = arith.mulf %dot_general3A_19, %mul3A : vector<400x256xf32>
    %convert_element_type3A = arith.truncf %mul3A_20 : vector<400x256xf32> to vector<400x256xbf16>
    %slice3A_21 = vector.extract_strided_slice %convert_element_type3A {offsets = [0, 0], sizes = [400, 128], strides = [1, 1]} : vector<400x256xbf16> to vector<400x128xbf16>
    %swap3A = arith.constant 0 : index
    %swap3A_22 = arith.constant 0 : index
    %swap3A_23 = vector.load %arg4[%swap3A, %swap3A_22] : memref<400x128xbf16, #tpu.memory_space<vmem>>, vector<400x128xbf16>
    tpu.vector_store %arg4[%swap3A, %swap3A_22], %slice3A_21 {strides = array<i32>} : memref<400x128xbf16, #tpu.memory_space<vmem>>, vector<400x128xbf16>,
    %slice3A_24 = vector.extract_strided_slice %convert_element_type3A {offsets = [0, 128], sizes = [400, 128], strides = [1, 1]} : vector<400x256xbf16> to vector<400x128xbf16>
    %swap3A_25 = arith.constant 0 : index
    %swap3A_26 = arith.constant 0 : index
    %swap3A_27 = vector.load %arg5[%swap3A_25, %swap3A_26] : memref<400x128xbf16, #tpu.memory_space<vmem>>, vector<400x128xbf16>
    tpu.vector_store %arg5[%swap3A_25, %swap3A_26], %slice3A_24 {strides = array<i32>} : memref<400x128xbf16, #tpu.memory_space<vmem>>, vector<400x128xbf16>,
    return
  }
  func.func @transform_0(%arg0: i32) -> (i32, i32) {
    %c0_i32 = arith.constant 0 : i32
    %c0_i32_0 = arith.constant 0 : i32
    return %arg0, %c0_i32 : i32, i32
  }
  func.func @transform_1(%arg0: i32) -> (i32, i32) {
    %c0_i32 = arith.constant 0 : i32
    %c0_i32_0 = arith.constant 0 : i32
    %c0_i32_1 = arith.constant 0 : i32
    return %c0_i32, %c0_i32_0 : i32, i32
  }
  func.func @transform_2(%arg0: i32) -> (i32, i32, i32) {
    %c0_i32 = arith.constant 0 : i32
    %c0_i32_0 = arith.constant 0 : i32
    %c0_i32_1 = arith.constant 0 : i32
    return %c0_i32, %arg0, %c0_i32_0 : i32, i32, i32
  }
  func.func @transform_3(%arg0: i32) -> (i32, i32) {
    %c0_i32 = arith.constant 0 : i32
    %c0_i32_0 = arith.constant 0 : i32
    return %arg0, %c0_i32 : i32, i32
  }
  func.func @transform_4(%arg0: i32) -> (i32, i32) {
    %c0_i32 = arith.constant 0 : i32
    %c0_i32_0 = arith.constant 0 : i32
    return %arg0, %c0_i32 : i32, i32
  }
}

module attributes {stable_mosaic.version = 14 : i64} {
  func.func @_tc2_body(%arg0: i32, %arg1: memref<400x128xbf16, #tpu.memory_space<vmem>>, %arg2: memref<400x128xbf16, #tpu.memory_space<vmem>>, %arg3: memref<400x128xbf16, #tpu.memory_space<vmem>>, %arg4: memref<400x128xbf16, #tpu.memory_space<vmem>>, %arg5: memref<2x400x16xf32, #tpu.memory_space<vmem>>, %arg6: memref<1x256xf32, #tpu.memory_space<vmem>>, %arg7: memref<256x256xf32, #tpu.memory_space<vmem>>, %arg8: memref<400x128xbf16, #tpu.memory_space<vmem>>, %arg9: memref<400x128xbf16, #tpu.memory_space<vmem>>) attributes {dimension_semantics = [#tpu.dimension_semantics<arbitrary>], iteration_bounds = array<i64: 25>, scalar_prefetch = 0 : i64, scratch_operands = 0 : i64, tpu.core_type = #tpu.core_type<tc>, window_params = [{transform_indices = @transform_0, window_bounds = array<i64: 400, 128>}, {transform_indices = @transform_1, window_bounds = array<i64: 400, 128>}, {transform_indices = @transform_2, window_bounds = array<i64: 400, 128>}, {transform_indices = @transform_3, window_bounds = array<i64: 400, 128>}, {transform_indices = @transform_4, window_bounds = array<i64: 2, 400, 16>}, {pipeline_mode = #tpu.pipeline_mode<synchronous>, transform_indices = @transform_5, window_bounds = array<i64: 1, 256>}, {pipeline_mode = #tpu.pipeline_mode<synchronous>, transform_indices = @transform_6, window_bounds = array<i64: 256, 256>}, {transform_indices = @transform_7, window_bounds = array<i64: 400, 128>}, {transform_indices = @transform_8, window_bounds = array<i64: 400, 128>}]} {
    %get3A = arith.constant 0 : index
    %get3A_0 = arith.constant 0 : index
    %get3A_1 = arith.constant 0 : index
    %get3A_2 = vector.load %arg5[%get3A, %get3A_0, %get3A_1] : memref<2x400x16xf32, #tpu.memory_space<vmem>>, vector<1x400x16xf32>
    %get3A_3 = vector.shape_cast %get3A_2 : vector<1x400x16xf32> to vector<400x16xf32>
    %slice3A = vector.extract_strided_slice %get3A_3 {offsets = [0, 0], sizes = [400, 1], strides = [1, 1]} : vector<400x16xf32> to vector<400x1xf32>
    %add3A = arith.constant 1.000000e+00 : f32
    %add3A_4 = vector.broadcast %add3A : f32 to vector<400x1xf32>
    %add3A_5 = arith.addf %add3A_4, %slice3A : vector<400x1xf32>
    %get3A_6 = arith.constant 1 : index
    %get3A_7 = arith.constant 0 : index
    %get3A_8 = arith.constant 0 : index
    %get3A_9 = vector.load %arg5[%get3A_6, %get3A_7, %get3A_8] : memref<2x400x16xf32, #tpu.memory_space<vmem>>, vector<1x400x16xf32>
    %get3A_10 = vector.shape_cast %get3A_9 : vector<1x400x16xf32> to vector<400x16xf32>
    %slice3A_11 = vector.extract_strided_slice %get3A_10 {offsets = [0, 0], sizes = [400, 1], strides = [1, 1]} : vector<400x16xf32> to vector<400x1xf32>
    %add3A_12 = arith.addf %add3A_5, %slice3A_11 : vector<400x1xf32>
    %rsqrt3A = math.rsqrt %add3A_12 : vector<400x1xf32>
    %get3A_13 = arith.constant 0 : index
    %get3A_14 = arith.constant 0 : index
    %get3A_15 = vector.load %arg1[%get3A_13, %get3A_14] : memref<400x128xbf16, #tpu.memory_space<vmem>>, vector<400x128xbf16>
    %get3A_16 = arith.constant 0 : index
    %get3A_17 = arith.constant 0 : index
    %get3A_18 = vector.load %arg2[%get3A_16, %get3A_17] : memref<400x128xbf16, #tpu.memory_space<vmem>>, vector<400x128xbf16>
    %concatenate3A = tpu.concatenate %get3A_15, %get3A_18 in 1 : vector<400x128xbf16>, vector<400x128xbf16> -> vector<400x256xbf16>
    %convert_element_type3A = arith.extf %concatenate3A : vector<400x256xbf16> to vector<400x256xf32>
    %get3A_19 = arith.constant 0 : index
    %get3A_20 = arith.constant 0 : index
    %get3A_21 = vector.load %arg3[%get3A_19, %get3A_20] : memref<400x128xbf16, #tpu.memory_space<vmem>>, vector<400x128xbf16>
    %get3A_22 = arith.constant 0 : index
    %get3A_23 = arith.constant 0 : index
    %get3A_24 = vector.load %arg4[%get3A_22, %get3A_23] : memref<400x128xbf16, #tpu.memory_space<vmem>>, vector<400x128xbf16>
    %concatenate3A_25 = tpu.concatenate %get3A_21, %get3A_24 in 1 : vector<400x128xbf16>, vector<400x128xbf16> -> vector<400x256xbf16>
    %convert_element_type3A_26 = arith.extf %concatenate3A_25 : vector<400x256xbf16> to vector<400x256xf32>
    %add3A_27 = arith.addf %convert_element_type3A, %convert_element_type3A_26 : vector<400x256xf32>
    %mul3A = vector.broadcast %rsqrt3A : vector<400x1xf32> to vector<400x256xf32>
    %mul3A_28 = arith.mulf %add3A_27, %mul3A : vector<400x256xf32>
    %get3A_29 = arith.constant 0 : index
    %get3A_30 = arith.constant 0 : index
    %get3A_31 = vector.load %arg6[%get3A_29, %get3A_30] : memref<1x256xf32, #tpu.memory_space<vmem>>, vector<1x256xf32>
    %add3A_32 = vector.broadcast %get3A_31 : vector<1x256xf32> to vector<400x256xf32>
    %add3A_33 = arith.addf %mul3A_28, %add3A_32 : vector<400x256xf32>
    %max3A = arith.constant 0.000000e+00 : f32
    %max3A_34 = vector.broadcast %max3A : f32 to vector<400x256xf32>
    %max3A_35 = arith.maximumf %add3A_33, %max3A_34 : vector<400x256xf32>
    %get3A_36 = arith.constant 0 : index
    %get3A_37 = arith.constant 0 : index
    %get3A_38 = vector.load %arg7[%get3A_36, %get3A_37] : memref<256x256xf32, #tpu.memory_space<vmem>>, vector<256x256xf32>
    %dot_general3A = arith.constant dense<0.000000e+00> : vector<400x256xf32>
    %dot_general3A_39 = tpu.matmul %max3A_35, %get3A_38, %dot_general3A {dimension_numbers = #tpu.dot_dimension_numbers<[1], [0], [0], [1], [0, 0, 1, 1], [], []>, transpose_lhs_hint = false} : vector<400x256xf32>, vector<256x256xf32>, vector<400x256xf32> -> vector<400x256xf32>
    %mul3A_40 = vector.broadcast %rsqrt3A : vector<400x1xf32> to vector<400x256xf32>
    %mul3A_41 = arith.mulf %dot_general3A_39, %mul3A_40 : vector<400x256xf32>
    %convert_element_type3A_42 = arith.truncf %mul3A_41 : vector<400x256xf32> to vector<400x256xbf16>
    %slice3A_43 = vector.extract_strided_slice %convert_element_type3A_42 {offsets = [0, 0], sizes = [400, 128], strides = [1, 1]} : vector<400x256xbf16> to vector<400x128xbf16>
    %swap3A = arith.constant 0 : index
    %swap3A_44 = arith.constant 0 : index
    %swap3A_45 = vector.load %arg8[%swap3A, %swap3A_44] : memref<400x128xbf16, #tpu.memory_space<vmem>>, vector<400x128xbf16>
    tpu.vector_store %arg8[%swap3A, %swap3A_44], %slice3A_43 {strides = array<i32>} : memref<400x128xbf16, #tpu.memory_space<vmem>>, vector<400x128xbf16>,
    %slice3A_46 = vector.extract_strided_slice %convert_element_type3A_42 {offsets = [0, 128], sizes = [400, 128], strides = [1, 1]} : vector<400x256xbf16> to vector<400x128xbf16>
    %swap3A_47 = arith.constant 0 : index
    %swap3A_48 = arith.constant 0 : index
    %swap3A_49 = vector.load %arg9[%swap3A_47, %swap3A_48] : memref<400x128xbf16, #tpu.memory_space<vmem>>, vector<400x128xbf16>
    tpu.vector_store %arg9[%swap3A_47, %swap3A_48], %slice3A_46 {strides = array<i32>} : memref<400x128xbf16, #tpu.memory_space<vmem>>, vector<400x128xbf16>,
    return
  }
  func.func @transform_0(%arg0: i32) -> (i32, i32) {
    %c0_i32 = arith.constant 0 : i32
    %c0_i32_0 = arith.constant 0 : i32
    return %arg0, %c0_i32 : i32, i32
  }
  func.func @transform_1(%arg0: i32) -> (i32, i32) {
    %c0_i32 = arith.constant 0 : i32
    %c0_i32_0 = arith.constant 0 : i32
    return %arg0, %c0_i32 : i32, i32
  }
  func.func @transform_2(%arg0: i32) -> (i32, i32) {
    %c0_i32 = arith.constant 0 : i32
    %c0_i32_0 = arith.constant 0 : i32
    return %arg0, %c0_i32 : i32, i32
  }
  func.func @transform_3(%arg0: i32) -> (i32, i32) {
    %c0_i32 = arith.constant 0 : i32
    %c0_i32_0 = arith.constant 0 : i32
    return %arg0, %c0_i32 : i32, i32
  }
  func.func @transform_4(%arg0: i32) -> (i32, i32, i32) {
    %c0_i32 = arith.constant 0 : i32
    %c0_i32_0 = arith.constant 0 : i32
    %c0_i32_1 = arith.constant 0 : i32
    return %c0_i32, %arg0, %c0_i32_0 : i32, i32, i32
  }
  func.func @transform_5(%arg0: i32) -> (i32, i32) {
    %c0_i32 = arith.constant 0 : i32
    %c0_i32_0 = arith.constant 0 : i32
    %c0_i32_1 = arith.constant 0 : i32
    return %c0_i32, %c0_i32_0 : i32, i32
  }
  func.func @transform_6(%arg0: i32) -> (i32, i32) {
    %c0_i32 = arith.constant 0 : i32
    %c0_i32_0 = arith.constant 0 : i32
    %c0_i32_1 = arith.constant 0 : i32
    return %c0_i32, %c0_i32_0 : i32, i32
  }
  func.func @transform_7(%arg0: i32) -> (i32, i32) {
    %c0_i32 = arith.constant 0 : i32
    %c0_i32_0 = arith.constant 0 : i32
    return %arg0, %c0_i32 : i32, i32
  }
  func.func @transform_8(%arg0: i32) -> (i32, i32) {
    %c0_i32 = arith.constant 0 : i32
    %c0_i32_0 = arith.constant 0 : i32
    return %arg0, %c0_i32 : i32, i32
  }
}

module attributes {stable_mosaic.version = 14 : i64} {
  func.func @_tc3_body(%arg0: i32, %arg1: memref<400x128xbf16, #tpu.memory_space<vmem>>, %arg2: memref<400x128xbf16, #tpu.memory_space<vmem>>, %arg3: memref<400x128xbf16, #tpu.memory_space<vmem>>, %arg4: memref<400x128xbf16, #tpu.memory_space<vmem>>, %arg5: memref<2x400x16xf32, #tpu.memory_space<vmem>>, %arg6: memref<1x256xf32, #tpu.memory_space<vmem>>, %arg7: memref<400x256xf32, #tpu.memory_space<vmem>>, %arg8: memref<400x256xf32, #tpu.memory_space<vmem>>) attributes {dimension_semantics = [#tpu.dimension_semantics<arbitrary>], iteration_bounds = array<i64: 25>, scalar_prefetch = 0 : i64, scratch_operands = 0 : i64, tpu.core_type = #tpu.core_type<tc>, window_params = [{transform_indices = @transform_0, window_bounds = array<i64: 400, 128>}, {transform_indices = @transform_1, window_bounds = array<i64: 400, 128>}, {transform_indices = @transform_2, window_bounds = array<i64: 400, 128>}, {transform_indices = @transform_3, window_bounds = array<i64: 400, 128>}, {transform_indices = @transform_4, window_bounds = array<i64: 2, 400, 16>}, {pipeline_mode = #tpu.pipeline_mode<synchronous>, transform_indices = @transform_5, window_bounds = array<i64: 1, 256>}, {transform_indices = @transform_6, window_bounds = array<i64: 400, 256>}, {transform_indices = @transform_7, window_bounds = array<i64: 400, 256>}]} {
    %get3A = arith.constant 0 : index
    %get3A_0 = arith.constant 0 : index
    %get3A_1 = arith.constant 0 : index
    %get3A_2 = vector.load %arg5[%get3A, %get3A_0, %get3A_1] : memref<2x400x16xf32, #tpu.memory_space<vmem>>, vector<1x400x16xf32>
    %get3A_3 = vector.shape_cast %get3A_2 : vector<1x400x16xf32> to vector<400x16xf32>
    %slice3A = vector.extract_strided_slice %get3A_3 {offsets = [0, 0], sizes = [400, 1], strides = [1, 1]} : vector<400x16xf32> to vector<400x1xf32>
    %add3A = arith.constant 1.000000e+00 : f32
    %add3A_4 = vector.broadcast %add3A : f32 to vector<400x1xf32>
    %add3A_5 = arith.addf %add3A_4, %slice3A : vector<400x1xf32>
    %get3A_6 = arith.constant 1 : index
    %get3A_7 = arith.constant 0 : index
    %get3A_8 = arith.constant 0 : index
    %get3A_9 = vector.load %arg5[%get3A_6, %get3A_7, %get3A_8] : memref<2x400x16xf32, #tpu.memory_space<vmem>>, vector<1x400x16xf32>
    %get3A_10 = vector.shape_cast %get3A_9 : vector<1x400x16xf32> to vector<400x16xf32>
    %slice3A_11 = vector.extract_strided_slice %get3A_10 {offsets = [0, 0], sizes = [400, 1], strides = [1, 1]} : vector<400x16xf32> to vector<400x1xf32>
    %add3A_12 = arith.addf %add3A_5, %slice3A_11 : vector<400x1xf32>
    %rsqrt3A = math.rsqrt %add3A_12 : vector<400x1xf32>
    %get3A_13 = arith.constant 0 : index
    %get3A_14 = arith.constant 0 : index
    %get3A_15 = vector.load %arg1[%get3A_13, %get3A_14] : memref<400x128xbf16, #tpu.memory_space<vmem>>, vector<400x128xbf16>
    %get3A_16 = arith.constant 0 : index
    %get3A_17 = arith.constant 0 : index
    %get3A_18 = vector.load %arg2[%get3A_16, %get3A_17] : memref<400x128xbf16, #tpu.memory_space<vmem>>, vector<400x128xbf16>
    %concatenate3A = tpu.concatenate %get3A_15, %get3A_18 in 1 : vector<400x128xbf16>, vector<400x128xbf16> -> vector<400x256xbf16>
    %convert_element_type3A = arith.extf %concatenate3A : vector<400x256xbf16> to vector<400x256xf32>
    %get3A_19 = arith.constant 0 : index
    %get3A_20 = arith.constant 0 : index
    %get3A_21 = vector.load %arg3[%get3A_19, %get3A_20] : memref<400x128xbf16, #tpu.memory_space<vmem>>, vector<400x128xbf16>
    %get3A_22 = arith.constant 0 : index
    %get3A_23 = arith.constant 0 : index
    %get3A_24 = vector.load %arg4[%get3A_22, %get3A_23] : memref<400x128xbf16, #tpu.memory_space<vmem>>, vector<400x128xbf16>
    %concatenate3A_25 = tpu.concatenate %get3A_21, %get3A_24 in 1 : vector<400x128xbf16>, vector<400x128xbf16> -> vector<400x256xbf16>
    %convert_element_type3A_26 = arith.extf %concatenate3A_25 : vector<400x256xbf16> to vector<400x256xf32>
    %add3A_27 = arith.addf %convert_element_type3A, %convert_element_type3A_26 : vector<400x256xf32>
    %mul3A = vector.broadcast %rsqrt3A : vector<400x1xf32> to vector<400x256xf32>
    %mul3A_28 = arith.mulf %add3A_27, %mul3A : vector<400x256xf32>
    %get3A_29 = arith.constant 0 : index
    %get3A_30 = arith.constant 0 : index
    %get3A_31 = vector.load %arg6[%get3A_29, %get3A_30] : memref<1x256xf32, #tpu.memory_space<vmem>>, vector<1x256xf32>
    %add3A_32 = vector.broadcast %get3A_31 : vector<1x256xf32> to vector<400x256xf32>
    %add3A_33 = arith.addf %mul3A_28, %add3A_32 : vector<400x256xf32>
    %get3A_34 = arith.constant 0 : index
    %get3A_35 = arith.constant 0 : index
    %get3A_36 = vector.load %arg7[%get3A_34, %get3A_35] : memref<400x256xf32, #tpu.memory_space<vmem>>, vector<400x256xf32>
    %add3A_37 = arith.addf %add3A_33, %get3A_36 : vector<400x256xf32>
    %swap3A = arith.constant 0 : index
    %swap3A_38 = arith.constant 0 : index
    %swap3A_39 = vector.load %arg8[%swap3A, %swap3A_38] : memref<400x256xf32, #tpu.memory_space<vmem>>, vector<400x256xf32>
    tpu.vector_store %arg8[%swap3A, %swap3A_38], %add3A_37 {strides = array<i32>} : memref<400x256xf32, #tpu.memory_space<vmem>>, vector<400x256xf32>,
    return
  }
  func.func @transform_0(%arg0: i32) -> (i32, i32) {
    %c0_i32 = arith.constant 0 : i32
    %c0_i32_0 = arith.constant 0 : i32
    return %arg0, %c0_i32 : i32, i32
  }
  func.func @transform_1(%arg0: i32) -> (i32, i32) {
    %c0_i32 = arith.constant 0 : i32
    %c0_i32_0 = arith.constant 0 : i32
    return %arg0, %c0_i32 : i32, i32
  }
  func.func @transform_2(%arg0: i32) -> (i32, i32) {
    %c0_i32 = arith.constant 0 : i32
    %c0_i32_0 = arith.constant 0 : i32
    return %arg0, %c0_i32 : i32, i32
  }
  func.func @transform_3(%arg0: i32) -> (i32, i32) {
    %c0_i32 = arith.constant 0 : i32
    %c0_i32_0 = arith.constant 0 : i32
    return %arg0, %c0_i32 : i32, i32
  }
  func.func @transform_4(%arg0: i32) -> (i32, i32, i32) {
    %c0_i32 = arith.constant 0 : i32
    %c0_i32_0 = arith.constant 0 : i32
    %c0_i32_1 = arith.constant 0 : i32
    return %c0_i32, %arg0, %c0_i32_0 : i32, i32, i32
  }
  func.func @transform_5(%arg0: i32) -> (i32, i32) {
    %c0_i32 = arith.constant 0 : i32
    %c0_i32_0 = arith.constant 0 : i32
    %c0_i32_1 = arith.constant 0 : i32
    return %c0_i32, %c0_i32_0 : i32, i32
  }
  func.func @transform_6(%arg0: i32) -> (i32, i32) {
    %c0_i32 = arith.constant 0 : i32
    %c0_i32_0 = arith.constant 0 : i32
    return %arg0, %c0_i32 : i32, i32
  }
  func.func @transform_7(%arg0: i32) -> (i32, i32) {
    %c0_i32 = arith.constant 0 : i32
    %c0_i32_0 = arith.constant 0 : i32
    return %arg0, %c0_i32 : i32, i32
  }
}

</mosaic_0001>

<sc_bundles>
// kernel: kernel.11.cloned.1.call-start
scs
__scs_entry_jumppad:
0x0: {  	(pc) =	sbr.rel $0x88, $3  }
0x1: {  	(tag) =	ssettag $0x0;
	lr =	simm.s32 $0x1  }
0x2: {  	[smem:$0x3F9B] =	sst lr;
	_ =	strace $0xD0000000  }
0x3: {  	_ = 	snop  }
0x4: {  	_ = 	snop  }
0x5: {  	_ = 	snop  }
0x6: {  	_ = 	snop  }
0x7: {  	_ = 	snop  }
__scs_overlays_trampoline_lowered:
0x8: {  	[smem:$0x3FAA] =	sst s0  }
0x9: {  	[smem:$0x3FAB] =	sst s1  }
0xa: {  	[smem:$0x3FAC] =	sst s2  }
0xb: {  	[smem:$0x3FAD] =	sst s3  }
0xc: {  	[smem:$0x3FAE] =	sst s4  }
0xd: {  	[smem:$0x3FAF] =	sst s5  }
0xe: {  	[smem:$0x3FB0] =	sst s6  }
0xf: {  	[smem:$0x3FB1] =	sst s7  }
0x10: {  	[smem:$0x3FB2] =	sst s8  }
0x11: {  	[smem:$0x3FB3] =	sst s9;
	s0 =	simm.s32 @!p0 $0x0  }
0x12: {  	s1 =	sld [smem:$0x3F99];
	s0 =	simm.s32 @p0 $0x1  }
0x13: {  	[smem:$0x3FB4] =	sst s0;
	s0 =	simm.s32 @!p1 $0x0  }
0x14: {  	s2 =	sld [smem:$0x3F98];
	s0 =	simm.s32 @p1 $0x1  }
0x15: {  	[smem:$0x3FB5] =	sst s0;
	s0 =	simm.s32 @!p2 $0x0  }
0x16: {  	s3 =	sld [smem:$0x3FDB];
	s0 =	simm.s32 @p2 $0x1  }
0x17: {  	s4 =	simm.s32 $0x1BF5;
	[smem:$0x3FB7] =	sst s0  }
0x18: {  	s0 =	sld [smem:$0x3F9A];
	_ =	swait.ge [sflag:s4], $0x0  }
0x19: {  	s7 =	sld [smem:$0x3F9B]  }
0x1a: {  	s8 =	sadd.s32 $0xFFFFE003, lr  }
0x1b: {  	s9 =	sadd.s32 $0xFFFFFEF7, lr;
	s5 =	simm.s32 $0xFFFFFFFF;
	p2 =	slt.u32 s8, $0xFFFFF086  }
0x1c: {  	p1 =	slt.u32 s9, $0xF7A;
	s5 =	simm.s32 @!p2 $0x0  }
0x1d: {  	s5 =	simm.s32 @p1 $0x1;
	p0 =	seq.s32 s7, s2  }
0x1e: {  	s7 =	smul.u32 @!p0 $0xF7A, s2;
	p2 =	seq.s32 @!p0 s5, $0x0  }
0x1f: {  	s9 =	smul.u32 $0xF7A, s1;
	s8 =	simm.s32 @!p0 $0x1BF5;
	p2 =	por !p2, p0  }
0x20: {  	[sflag:s8] =	ssyncset.s32 @!p0 $0xFFFFF086;
	s6 =	sadd.s32 @!p0 s3, s7;
	s7 =	simm.s32 @!p0 $0x108  }
0x21: {  	s3 =	sadd.s32 s3, s9;
	s6 =	sadd.s32 @!p0 $0x88, s6;
	s7 =	simm.s32 @p2 $0x1082  }
0x22: {  	[simem:s7], [sflag:s8] =	dma.local @!p0 [hbm:s6], $0xF7A  }
0x23: {  	s9 =	sor.u32 $0xD0000000, s2;
	s6 =	simm.s32 $0x108;
	_ =	swait.ge @!p0 [sflag:s8], $0x0  }
0x24: {  	s3 =	sadd.s32 $0x88, s3;
	s6 =	simm.s32 @!p1 $0x1082;
	[sflag:s4] =	ssyncset.s32 $0xFFFFF086  }
0x25: {  	[simem:s6], [sflag:s4] =	dma.local [hbm:s3], $0xF7A  }
0x26: {  	[smem:$0x3F9B] =	sst s1;
	(tag) =	ssettag s2;
	_ =	strace s9  }
0x27: {  	s1 =	sld [smem:$0x3FAB]  }
0x28: {  	s2 =	sld [smem:$0x3FAC]  }
0x29: {  	s4 =	sld [smem:$0x3FAE]  }
0x2a: {  	p0 =	seq.s32 s5, $0x0;
	s5 =	sld [smem:$0x3FAF]  }
0x2b: {  	s6 =	sld [smem:$0x3FB0]  }
0x2c: {  	s7 =	sld [smem:$0x3FB1]  }
0x2d: {  	s3 =	simm.s32 $0x108;
	s8 =	sld [smem:$0x3FB2]  }
0x2e: {  	s3 =	simm.s32 @!p0 $0x1082;
	s9 =	sld [smem:$0x3FB3]  }
0x2f: {  	lr =	sadd.s32 s0, s3;
	s0 =	sld [smem:$0x3FAA]  }
0x30: {  	s3 =	sld [smem:$0x3FAD]  }
0x31: {  	[smem:$0x3FB6] =	sst s10  }
0x32: {  	s10 =	sld [smem:$0x3FB4];
	_ =	sdelay $0x3  }
0x33: {  	p0 =	seq.s32 s10, $0x1;
	s10 =	sld [smem:$0x3FB6];
	_ =	sdelay $0x3  }
0x34: {  	[smem:$0x3FB6] =	sst s10  }
0x35: {  	s10 =	sld [smem:$0x3FB5];
	_ =	sdelay $0x3  }
0x36: {  	p1 =	seq.s32 s10, $0x1;
	s10 =	sld [smem:$0x3FB6];
	_ =	sdelay $0x3  }
0x37: {  	[smem:$0x3FB6] =	sst s10  }
0x38: {  	s10 =	sld [smem:$0x3FB7]  }
0x39: {  	_ = 	snop;
	(pc) =	sbr.ind lr, $3  }
0x3a: {  	_ = 	snop  }
0x3b: {  	_ = 	snop  }
0x3c: {  	p2 =	seq.s32 s10, $0x1;
	s10 =	sld [smem:$0x3FB6]  }
0x3d: {  	_ =	shalt  }
0x3e: {  	_ =	shalt  }
0x3f: {  	_ =	shalt  }
0x40: {  	_ =	shalt  }
0x41: {  	_ =	shalt  }
0x42: {  	_ =	shalt  }
0x43: {  	_ =	shalt  }
0x44: {  	_ =	shalt  }
0x45: {  	_ =	shalt  }
0x46: {  	_ =	shalt  }
0x47: {  	_ =	shalt  }
0x48: {  	_ =	shalt  }
0x49: {  	_ =	shalt  }
0x4a: {  	_ =	shalt  }
0x4b: {  	_ =	shalt  }
0x4c: {  	_ =	shalt  }
0x4d: {  	_ =	shalt  }
0x4e: {  	_ =	shalt  }
0x4f: {  	_ =	shalt  }
0x50: {  	_ =	shalt  }
0x51: {  	_ =	shalt  }
0x52: {  	_ =	shalt  }
0x53: {  	_ =	shalt  }
0x54: {  	_ =	shalt  }
0x55: {  	_ =	shalt  }
0x56: {  	_ =	shalt  }
0x57: {  	_ =	shalt  }
0x58: {  	_ =	shalt  }
0x59: {  	_ =	shalt  }
0x5a: {  	_ =	shalt  }
0x5b: {  	_ =	shalt  }
0x5c: {  	_ =	shalt  }
0x5d: {  	_ =	shalt  }
0x5e: {  	_ =	shalt  }
0x5f: {  	_ =	shalt  }
0x60: {  	_ =	shalt  }
0x61: {  	_ =	shalt  }
0x62: {  	_ =	shalt  }
0x63: {  	_ =	shalt  }
0x64: {  	_ =	shalt  }
0x65: {  	_ =	shalt  }
0x66: {  	_ =	shalt  }
0x67: {  	_ =	shalt  }
0x68: {  	_ =	shalt  }
0x69: {  	_ =	shalt  }
0x6a: {  	_ =	shalt  }
0x6b: {  	_ =	shalt  }
0x6c: {  	_ =	shalt  }
0x6d: {  	_ =	shalt  }
0x6e: {  	_ =	shalt  }
0x6f: {  	_ =	shalt  }
0x70: {  	_ =	shalt  }
0x71: {  	_ =	shalt  }
0x72: {  	_ =	shalt  }
0x73: {  	_ =	shalt  }
0x74: {  	_ =	shalt  }
0x75: {  	_ =	shalt  }
0x76: {  	_ =	shalt  }
0x77: {  	_ =	shalt  }
0x78: {  	_ =	shalt  }
0x79: {  	_ =	shalt  }
0x7a: {  	_ =	shalt  }
0x7b: {  	_ =	shalt  }
0x7c: {  	_ =	shalt  }
0x7d: {  	_ =	shalt  }
0x7e: {  	_ =	shalt  }
0x7f: {  	_ =	shalt  }
0x80: {  	_ =	shalt  }
0x81: {  	_ =	shalt  }
0x82: {  	_ =	shalt  }
0x83: {  	_ =	shalt  }
0x84: {  	_ =	shalt  }
0x85: {  	_ =	shalt  }
0x86: {  	_ =	shalt  }
0x87: {  	_ =	shalt  }
.Lfunc_end0:
.L_simem_size_0:
called_computation.1_lowered:
.L_overlay_start_0:
0x88: {  	s2 =	sld [smem:$0x3FD9]  }
0x89: {  	s3 =	sld [smem:$0x3FFE];
	_ =	sdelay $0x1  }
0x8a: {  	s1 =	srdreg.scid  }
0x8b: {  	s0 =	sand.u32 $0x1, s1  }
0x8c: {  	s17 =	sshll.u32 s0, $0xA;
	s2 =	sadd.s32 s3, s2  }
0x8d: {  	s2 =	sadd.s32 s2, s17  }
0x8e: {  	[smem:$0x3FC2] =	sst s2  }
0x8f: {  	_ = 	snop  }
0x90: {  	s2 =	sld [smem:$0x3FD0];
	(tm) =	ssettm $0x1  }
0x91: {  	s18 =	sld [smem:$0x3FFB];
	_ =	sdelay $0x3  }
0x92: {  	_ =	strace s18  }
0x93: {  	s3 =	sld [smem:$0x3FFC];
	_ =	sdelay $0x3  }
0x94: {  	_ =	strace s3  }
0x95: {  	s3 =	sld [smem:$0x3FFD];
	_ =	sdelay $0x3  }
0x96: {  	_ =	strace s3  }
0x97: {  	_ =	strace $0x8FFFFFFF  }
0x98: {  	s19 =	sld [smem:$0x3FDB];
	_ =	sdelay $0x1  }
0x99: {  	s4 =	simm.s32 $_scs_section_size  }
0x9a: {  	s5 =	simm.s32 $_size__tile_overlayer_lowered;
	s6 =	simm.s32 $_tile_overlayer_lowered  }
0x9b: {  	s22 =	simm.s32 $0x1BFF;
	s21 =	sshll.u32 s6, $0x1;
	s3 =	sadd.s32 s4, s19  }
0x9c: {  	s7 =	simm.s32 $0x0;
	s20 =	sshll.u32 s5, $0x1;
	s5 =	sadd.s32 s21, s3  }
0x9d: {  	[timem:s7], [sflag:s22] =	dma.local [hbm:s5], s20  }
0x9e: {  	_ =	swait.ge [sflag:s22], s20  }
0x9f: {  	s4 =	ssub.s32 $0x0, s20;
	[sflag:s22] =	ssyncset.done $0x0  }
0xa0: {  	[sflag:s22] =	ssyncadd.s32 s4;
	_ =	sdelay $0x1  }
0xa1: {  	s23 =	simm.s32 $0x1B8B  }
0xa2: {  	_ =	swait.ge [sflag:s23], $0x1  }
0xa3: {  	[sflag:s23] =	ssyncset.done $0x0  }
0xa4: {  	s25 =	simm.s32 $0x1B8E;
	s24 =	sld [smem:$0x3FFE];
	[sflag:s23] =	ssyncadd.s32 $0xFFFFFFFF  }
0xa5: {  	s26 =	simm.s32 $execute0_lowered;
	[smem:$0x3FD2] =	sst s25  }
0xa6: {  	s5 =	sshll.u32 s26, $0x1;
	_ =	strace $0x80000049;
	[dreg:$0x1] =	wrdreg $0xFFFFFFFF  }
0xa7: {  	s28 =	simm.s32 $_size_execute0_lowered;
	s3 =	sadd.s32 s3, s5;
	[dreg:$0x0] =	wrdreg $0x0  }
0xa8: {  	s5 =	sshll.u32 s28, $0x1;
	[dreg:$0x2] =	wrdreg s3  }
0xa9: {  	[dreg:$0x3] =	wrdreg s5  }
0xaa: {  	[dreg:$0x4] =	wrdreg $0xC0  }
0xab: {  	_ =	task [dreg:s7], $0x5FFFF  }
0xac: {  	[dreg:$0x1] =	wrdreg $0xFFFFFFFF  }
0xad: {  	[dreg:$0x0] =	wrdreg $0x60  }
0xae: {  	[dreg:$0x2] =	wrdreg s24  }
0xaf: {  	[dreg:$0x3] =	wrdreg s2  }
0xb0: {  	[dreg:$0x4] =	wrdreg $0x110000  }
0xb1: {  	[dreg:$0x5] =	wrdreg $0x9  }
0xb2: {  	_ =	task.clear_ibuf [dreg:s7], $0x6FFFF;
	_ =	strace $0x90000049  }
0xb3: {  	s29 =	simm.s32 $0x9;
	_ =	strace $0x8000004B  }
0xb4: {  	_ =	swait.ge [sflag:s29], $0x1  }
0xb5: {  	[sflag:s29] =	ssyncadd.s32 $0xFFFFFFFF  }
0xb6: {  	_ =	strace $0x9000004B  }
0xb7: {  	_ =	sfence  }
0xb8: {  	s30 =	sld [smem:$0x0];
	_ =	sdelay $0x2  }
0xb9: {  	s31 =	sshll.u32 s1, $0xD;
	s1 =	sshrl.u32 s1, $0x2  }
0xba: {  	s3 =	sand.u32 $0x4000, s31;
	s1 =	sadd.s32 s1, s30  }
0xbb: {  	s0 =	sor.u32 s3, s0;
	s1 =	sshll.u32 s1, $0x11  }
0xbc: {  	s0 =	sor.u32 s1, s0  }
0xbd: {  	s0 =	sadd.s32 $0x8F2B, s0  }
0xbe: {  	[sflag:s0] =	ssyncadd.remote.s32 $0x1  }
0xbf: {  	_ =	sfence.sel $0xFFFF  }
0xc0: {  	[dreg:$0x0] =	wrdreg $0xFFFFFFFF;
	(pc) =	sbr.abs _section_cstart, $3  }
0xc1: {  	[dreg:$0x1] =	wrdreg $0xFFFFFFFF  }
0xc2: {  	_ =	task.clear_ibuf [dreg:s7], $0x2FFFF;
	_ =	strace $0x9FFFFFFF  }
0xc3: {  	(tm) =	ssettm $0x7FFFFFFF  }
tec
execute0_lowered:
.L_overlay_start_1:
0x0: {  	(tag) =	ssettag $0x1  }
0x1: {  	s0 =	rddreg [dreg:$0x0]  }
0x2: {  	s3 =	rddreg [dreg:$0x2];
	s4 =	simm.s32 $0x0;
	s14 =	stileid.u32  }
0x3: {  	s2 =	srdreg.scid;
	s13 =	simm.s32 $0x3;
	s17 =	simm.s32 $0x80  }
0x4: {  	s18 =	simm.s32 $0x5000;
	s19 =	simm.s32 $0x7000;
	s20 =	simm.s32 $0x9000  }
0x5: {  	s21 =	simm.s32 $0xB000;
	s22 =	simm.s32 $0xD000;
	s23 =	simm.s32 $0xF000  }
0x6: {  	s24 =	simm.s32 $0x1;
	s25 =	simm.s32 $0x2;
	s26 =	simm.s32 $0x0  }
0x7: {  	[smem:$0x7FF] =	sst s4;
	s1 =	smul.u32 $0x500, s14;
	s5 =	sadd.s32 $0x71800, s0  }
0x8: {  	s2 =	sand.u32 $0x1, s2;
	s6 =	sadd.s32 $0x5DE00, s0;
	s7 =	sadd.s32 $0x7A00, s0  }
0x9: {  	s11 =	smul.u32 $0x14000, s14;
	s8 =	sadd.s32 $0x85200, s0;
	s31 =	sshll.u32 s14, $0x6  }
.Ltmp0:
0xa: {  	_ =	strace $0x8000004A;
	s9 =	ssub.s32 $0x2, s2;
	(pc) =	sbr.rel .LBB2_1-.Ltmp0, $4  }
0xb: {  	p0 =	seq.s32 s2, $0x1;
	s15 =	sor.u32 $0x1C03, s31;
	s10 =	sshrl.u32 s9, $0x1  }
0xc: {  	s1 =	sadd.s32 s1, s0;
	s30 =	sshrl.u32 s11, $0x1;
	s29 =	ssub.s32 s9, s10  }
0xd: {  	s9 =	sadd.s32 $0x8E00, s1;
	s10 =	sadd.s32 $0x2400, s1;
	s1 =	sadd.s32 s30, s3  }
0xe: {  	s11 =	sshrl.u32 s11, $0x4;
	s12 =	smax.u32 s29, $0x1;
	s16 =	sshrl.u32 s1, $0x3  }
.LBB2_7:
0xf: {  	[tilespmem:s0], [sflag:$0x1] =	stream.indirect.gather @!p1 [hbm4b:s6+s2], $0x40, s1, s2, $0xb8;
	[tilespmem:$0x1B000] =	vst v63  }
0x10: {  	p1 =	sgt.u32 @!p2 s30, $0x4B  }
0x11: {  	p1 =	por p1, p2  }
0x12: {  	s0 =	sadd.s32 @!p1 $0x4, s30  }
0x13: {  	s1 =	sand.u32 @!p1 $0xFF, s0  }
0x14: {  	s1 =	smul.u32 @!p1 $0xAB, s1  }
0x15: {  	_ =	swait.ge [sflag:s24], $0x2000  }
0x16: {  	[sflag:s24] =	ssyncset.done $0x0;
	s1 =	sshrl.u32 @!p1 s1, $0xA  }
0x17: {  	s31 =	sadd.s32 $0x5000, s31;
	[sflag:s24] =	ssyncadd.s32 $0xFFFFE000;
	s1 =	smul.u32 @!p1 $0x6, s1  }
0x18: {  	[spmem:s3] =	stream.indirect.scatter.add.bf16 [tilespmem:s31], [sflag:$0x2], $0x40, s28, s17, $0xb8;
	[tilespmem:$0x1B000] =	vst v63  }
0x19: {  	s14 =	simm.s32 @!p2 $0x2;
	s0 =	ssub.s32 @!p1 s0, s1  }
0x1a: {  	_ =	swait.ge @!p2 [sflag:s14], $0x2000;
	s0 =	sand.u32 @!p1 $0xFF, s0  }
0x1b: {  	s2 =	simm.s32 @!p1 $0x0;
	[sflag:s14] =	ssyncset.done @!p2 $0x0;
	s0 =	sshll.u32 @!p1 s0, $0xD  }
0x1c: {  	[sflag:s14] =	ssyncadd.s32 @!p2 $0xFFFFE000;
	s1 =	simm.s32 @!p1 $0x80;
	s0 =	sadd.s32 @!p1 $0x5000, s0  }
0x1d: {  	[tilespmem:s0], [sflag:$0x1] =	stream.indirect.gather @!p1 [hbm4b:s6+s1], $0x40, s2, s1, $0xb8;
	[tilespmem:$0x1B000] =	vst v63  }
0x1e: {  	s0 =	smov.u32 s8  }
.LBB2_8:
0x1f: {  	_ =	swait.ge [sflag:s25], $0x2000  }
0x20: {  	[sflag:s25] =	ssyncset.done $0x0  }
0x21: {  	[sflag:s25] =	ssyncadd.s32 $0xFFFFE000  }
0x22: {  	_ =	swait.ge [sflag:s25], $0x2000  }
0x23: {  	s26 =	sadd.s32 $0x1, s26;
	[sflag:s25] =	ssyncset.done $0x0  }
0x24: {  	p1 =	sne.s32 s26, s12;
	[sflag:s25] =	ssyncadd.s32 $0xFFFFE000  }
.Ltmp1:
0x25: {  	s0 =	sadd.s32 s0, s11;
	[bflag:$0x0] =	sbarrier.arrive $0xFFFF;
	(pc) =	sbr.rel @!p1 .LBB2_9-.Ltmp1, $4  }
0x26: {  	[hbm:s0], [sflag:s15] =	dma.local [spmem:s16], $0x1400  }
0x27: {  	_ =	swait.ge [sflag:s13], $0x1400  }
0x28: {  	[sflag:s13] =	ssyncset.done $0x0  }
0x29: {  	[sflag:s13] =	ssyncadd.s32 $0xFFFFEC00  }
.LBB2_1:
0x2a: {  	[tilespmem:s4], [sflag:$0x3] =	stream.linear.gather [hbm4b:s9+s4], $0x2800, $0x38;
	[tilespmem:$0x1B000] =	vst v63  }
0x2b: {  	_ =	swait.ge [sflag:s13], $0x2800  }
0x2c: {  	[sflag:s13] =	ssyncset.done $0x0  }
0x2d: {  	s0 =	simm.s32 $0x2800;
	[sflag:s13] =	ssyncadd.s32 $0xFFFFD800  }
0x2e: {  	[tilespmem:s0], [sflag:$0x3] =	stream.linear.gather [hbm4b:s10+s4], $0x2800, $0x38;
	[tilespmem:$0x1B000] =	vst v63  }
0x2f: {  	_ =	swait.ge [sflag:s13], $0x2800  }
0x30: {  	[sflag:s13] =	ssyncset.done $0x0  }
0x31: {  	[sflag:s13] =	ssyncadd.s32 $0xFFFFD800  }
0x32: {  	[spmem:s16], [sflag:s15] =	dma.local [hbm:s7], $0x1400  }
.Ltmp2:
0x33: {  	_ =	swait.ge [sflag:s13], $0x1400;
	(pc) =	sbr.rel @!p0 .LBB2_2-.Ltmp2, $4  }
0x34: {  	[sflag:s13] =	ssyncset.done $0x0  }
0x35: {  	[sflag:s13] =	ssyncadd.s32 $0xFFFFEC00  }
0x36: {  	[bflag:$0x0] =	sbarrier.arrive $0xFFFF  }
0x37: {  	s0 =	simm.s32 $0x0  }
0x38: {  	[tilespmem:s18], [sflag:$0x1] =	stream.indirect.gather [hbm4b:s6+s17], $0x40, s0, s17, $0xb8;
	[tilespmem:$0x1B000] =	vst v63  }
0x39: {  	_ = 	snop  }
0x3a: {  	[tilespmem:s19], [sflag:$0x1] =	stream.indirect.gather [hbm4b:s6+s17], $0x40, s0, s17, $0xb8;
	[tilespmem:$0x1B000] =	vst v63  }
0x3b: {  	_ = 	snop  }
0x3c: {  	[tilespmem:s20], [sflag:$0x1] =	stream.indirect.gather [hbm4b:s6+s17], $0x40, s0, s17, $0xb8;
	[tilespmem:$0x1B000] =	vst v63  }
0x3d: {  	_ = 	snop  }
0x3e: {  	[tilespmem:s21], [sflag:$0x1] =	stream.indirect.gather [hbm4b:s6+s17], $0x40, s0, s17, $0xb8;
	[tilespmem:$0x1B000] =	vst v63  }
0x3f: {  	s1 =	smul.u32 $0xAB, s0  }
0x40: {  	[tilespmem:s22], [sflag:$0x1] =	stream.indirect.gather [hbm4b:s6+s17], $0x40, s0, s17, $0xb8;
	[tilespmem:$0x1B000] =	vst v63  }
0x41: {  	s30 =	simm.s32 $0x1;
	s14 =	sshrl.u32 s1, $0xA  }
0x42: {  	[tilespmem:s23], [sflag:$0x1] =	stream.indirect.gather [hbm4b:s6+s17], $0x40, s0, s17, $0xb8;
	[tilespmem:$0x1B000] =	vst v63  }
0x43: {  	p1 =	por $0x1, $0x1;
	s2 =	smul.u32 $0xAB, s30;
	s0 =	sand.u32 $0x3F, s14  }
0x44: {  	p2 =	por p1, p1;
	s0 =	smul.u32 $0x6, s0  }
0x45: {  	s1 =	simm.s32 $0x2800;
	p1 =	por @!p2 $0x0, $0x0;
	s2 =	sshrl.u32 s2, $0xA  }
0x46: {  	p1 =	por p1, p2;
	s2 =	sand.u32 $0x3F, s2;
	s0 =	ssub.s32 $0x0, s0  }
0x47: {  	s14 =	simm.s32 @!p1 $0x4;
	_ =	swait.ge [sflag:s24], $0x2000;
	s0 =	sand.u32 $0xFF, s0  }
0x48: {  	s14 =	sand.u32 @!p1 $0xFF, s14;
	[sflag:s24] =	ssyncset.done $0x0;
	s0 =	sshll.u32 s0, $0xD  }
0x49: {  	s14 =	smul.u32 @!p1 $0xAB, s14;
	[sflag:s24] =	ssyncadd.s32 $0xFFFFE000;
	s0 =	sadd.s32 $0x5000, s0  }
0x4a: {  	[spmem:s3] =	stream.indirect.scatter.add.bf16 [tilespmem:s0], [sflag:$0x2], $0x40, s1, s17, $0xb8;
	[tilespmem:$0x1B000] =	vst v63  }
0x4b: {  	s0 =	smul.u32 $0x6, s2;
	s1 =	sshrl.u32 @!p1 s14, $0xA  }
0x4c: {  	s29 =	simm.s32 $0x2;
	p3 =	por $0x1, $0x1;
	s1 =	smul.u32 @!p1 $0x6, s1  }
0x4d: {  	s28 =	simm.s32 $0x2880;
	s2 =	simm.s32 @!p2 $0x2;
	s0 =	ssub.s32 $0x1, s0  }
0x4e: {  	_ =	swait.ge @!p2 [sflag:s2], $0x2000;
	s0 =	sand.u32 $0xFF, s0;
	s1 =	ssub.s32 @!p1 $0x4, s1  }
0x4f: {  	[sflag:s2] =	ssyncset.done @!p2 $0x0;
	s31 =	sshll.u32 s0, $0xD;
	s0 =	sand.u32 @!p1 $0xFF, s1  }
0x50: {  	[sflag:s2] =	ssyncadd.s32 @!p2 $0xFFFFE000;
	p2 =	por p3, p3;
	s0 =	sshll.u32 @!p1 s0, $0xD  }
0x51: {  	s2 =	simm.s32 @!p1 $0x80;
	s1 =	simm.s32 @!p1 $0x0;
	s0 =	sadd.s32 @!p1 $0x5000, s0  }
.LBB2_6:
0x52: {  	[tilespmem:s0], [sflag:$0x1] =	stream.indirect.gather @!p1 [hbm4b:s6+s2], $0x40, s1, s2, $0xb8;
	[tilespmem:$0x1B000] =	vst v63  }
0x53: {  	s0 =	smov.u32 s29  }
0x54: {  	s1 =	smul.u32 $0xAB, s29;
	p1 =	sgt.u32 @!p2 s30, $0x4B;
	_ =	swait.ge [sflag:s24], $0x2000  }
0x55: {  	s29 =	sadd.s32 $0x1, s29;
	p1 =	por p1, p2;
	[sflag:s24] =	ssyncset.done $0x0  }
0x56: {  	s1 =	sshrl.u32 s1, $0xA;
	s2 =	sadd.s32 @!p1 $0x4, s30;
	[sflag:s24] =	ssyncadd.s32 $0xFFFFE000  }
0x57: {  	p3 =	slt.u32 s0, $0x2;
	s1 =	sand.u32 $0x3F, s1;
	s14 =	sand.u32 @!p1 $0xFF, s2  }
0x58: {  	s30 =	sadd.s32 $0x5000, s31;
	s31 =	simm.s32 @!p2 $0x2;
	s14 =	smul.u32 @!p1 $0xAB, s14  }
0x59: {  	[spmem:s3] =	stream.indirect.scatter.add.bf16 [tilespmem:s30], [sflag:$0x2], $0x40, s28, s17, $0xb8;
	[tilespmem:$0x1B000] =	vst v63  }
0x5a: {  	s1 =	smul.u32 $0x6, s1;
	s14 =	sshrl.u32 @!p1 s14, $0xA;
	_ =	swait.ge @!p2 [sflag:s31], $0x2000  }
0x5b: {  	p4 =	sne.s32 s29, $0x50;
	s14 =	smul.u32 @!p1 $0x6, s14;
	[sflag:s31] =	ssyncset.done @!p2 $0x0  }
.Ltmp3:
0x5c: {  	s1 =	ssub.s32 s0, s1;
	[sflag:s31] =	ssyncadd.s32 @!p2 $0xFFFFE000;
	(pc) =	sbr.rel @p4 .LBB2_6-.Ltmp3, $4  }
0x5d: {  	s30 =	smov.u32 s0;
	s1 =	sand.u32 $0xFF, s1;
	s2 =	ssub.s32 @!p1 s2, s14  }
0x5e: {  	s31 =	sshll.u32 s1, $0xD;
	p2 =	por p3, p3;
	s0 =	sand.u32 @!p1 $0xFF, s2  }
0x5f: {  	s28 =	sadd.s32 $0x80, s28;
	s0 =	sshll.u32 @!p1 s0, $0xD  }
0x60: {  	s1 =	simm.s32 @!p1 $0x0;
	s2 =	simm.s32 @!p1 $0x80;
	s0 =	sadd.s32 @!p1 $0x5000, s0  }
.Ltmp4:
0x61: {  	_ = 	snop;
	(pc) =	sbr.rel .LBB2_7-.Ltmp4, $1  }
0x62: {  	_ =	sdelay $0x3  }
.LBB2_2:
0x63: {  	[tilespmem:s18], [sflag:$0x1] =	stream.indirect.gather [hbm4b:s5+s17], $0x40, s0, s17, $0xb8;
	[tilespmem:$0x1B000] =	vst v63  }
0x64: {  	_ = 	snop  }
0x65: {  	[tilespmem:s19], [sflag:$0x1] =	stream.indirect.gather [hbm4b:s5+s17], $0x40, s0, s17, $0xb8;
	[tilespmem:$0x1B000] =	vst v63  }
0x66: {  	_ = 	snop  }
0x67: {  	[tilespmem:s20], [sflag:$0x1] =	stream.indirect.gather [hbm4b:s5+s17], $0x40, s0, s17, $0xb8;
	[tilespmem:$0x1B000] =	vst v63  }
0x68: {  	_ = 	snop  }
0x69: {  	[tilespmem:s21], [sflag:$0x1] =	stream.indirect.gather [hbm4b:s5+s17], $0x40, s0, s17, $0xb8;
	[tilespmem:$0x1B000] =	vst v63  }
0x6a: {  	s1 =	smul.u32 $0xAB, s0;
	p1 =	por $0x1, $0x1  }
0x6b: {  	[tilespmem:s22], [sflag:$0x1] =	stream.indirect.gather [hbm4b:s5+s17], $0x40, s0, s17, $0xb8;
	[tilespmem:$0x1B000] =	vst v63  }
0x6c: {  	p2 =	por p1, p1;
	s2 =	sshrl.u32 s1, $0xA  }
0x6d: {  	[tilespmem:s23], [sflag:$0x1] =	stream.indirect.gather [hbm4b:s5+s17], $0x40, s0, s17, $0xb8;
	[tilespmem:$0x1B000] =	vst v63  }
0x6e: {  	p1 =	por @!p2 $0x0, $0x0;
	s0 =	sand.u32 $0x3F, s2  }
0x6f: {  	p1 =	por p1, p2;
	s0 =	smul.u32 $0x6, s0  }
0x70: {  	s14 =	simm.s32 $0x2800;
	s30 =	simm.s32 $0x1;
	s28 =	simm.s32 @!p1 $0x4  }
0x71: {  	s28 =	sand.u32 @!p1 $0xFF, s28;
	s2 =	smul.u32 $0xAB, s30;
	s0 =	ssub.s32 $0x0, s0  }
0x72: {  	s28 =	smul.u32 @!p1 $0xAB, s28;
	_ =	swait.ge [sflag:s24], $0x2000;
	s0 =	sand.u32 $0xFF, s0  }
0x73: {  	[sflag:s24] =	ssyncset.done $0x0;
	s2 =	sshrl.u32 s2, $0xA;
	s0 =	sshll.u32 s0, $0xD  }
0x74: {  	[sflag:s24] =	ssyncadd.s32 $0xFFFFE000;
	s2 =	sand.u32 $0x3F, s2;
	s0 =	sadd.s32 $0x5000, s0  }
0x75: {  	[spmem:s3] =	stream.indirect.scatter.add.bf16 [tilespmem:s0], [sflag:$0x2], $0x40, s14, s17, $0xb8;
	[tilespmem:$0x1B000] =	vst v63  }
0x76: {  	s1 =	sshrl.u32 @!p1 s28, $0xA;
	s14 =	smul.u32 $0x6, s2  }
0x77: {  	s29 =	simm.s32 $0x2;
	p3 =	por $0x1, $0x1;
	s1 =	smul.u32 @!p1 $0x6, s1  }
0x78: {  	s28 =	simm.s32 $0x2880;
	s2 =	simm.s32 @!p2 $0x2;
	s0 =	ssub.s32 $0x1, s14  }
0x79: {  	s1 =	ssub.s32 @!p1 $0x4, s1;
	_ =	swait.ge @!p2 [sflag:s2], $0x2000;
	s0 =	sand.u32 $0xFF, s0  }
0x7a: {  	[sflag:s2] =	ssyncset.done @!p2 $0x0;
	s31 =	sshll.u32 s0, $0xD;
	s0 =	sand.u32 @!p1 $0xFF, s1  }
0x7b: {  	[sflag:s2] =	ssyncadd.s32 @!p2 $0xFFFFE000;
	p2 =	por p3, p3;
	s0 =	sshll.u32 @!p1 s0, $0xD  }
0x7c: {  	s2 =	simm.s32 @!p1 $0x80;
	s1 =	simm.s32 @!p1 $0x0;
	s0 =	sadd.s32 @!p1 $0x5000, s0  }
.LBB2_3:
0x7d: {  	[tilespmem:s0], [sflag:$0x1] =	stream.indirect.gather @!p1 [hbm4b:s5+s2], $0x40, s1, s2, $0xb8;
	[tilespmem:$0x1B000] =	vst v63  }
0x7e: {  	s0 =	smov.u32 s29  }
0x7f: {  	s1 =	smul.u32 $0xAB, s29;
	p1 =	sgt.u32 @!p2 s30, $0x4B;
	_ =	swait.ge [sflag:s24], $0x2000  }
0x80: {  	s29 =	sadd.s32 $0x1, s29;
	p1 =	por p1, p2;
	[sflag:s24] =	ssyncset.done $0x0  }
0x81: {  	s1 =	sshrl.u32 s1, $0xA;
	s2 =	sadd.s32 @!p1 $0x4, s30;
	[sflag:s24] =	ssyncadd.s32 $0xFFFFE000  }
0x82: {  	p3 =	slt.u32 s0, $0x2;
	s1 =	sand.u32 $0x3F, s1;
	s30 =	sand.u32 @!p1 $0xFF, s2  }
0x83: {  	s31 =	sadd.s32 $0x5000, s31;
	s14 =	simm.s32 @!p2 $0x2;
	s30 =	smul.u32 @!p1 $0xAB, s30  }
0x84: {  	[spmem:s3] =	stream.indirect.scatter.add.bf16 [tilespmem:s31], [sflag:$0x2], $0x40, s28, s17, $0xb8;
	[tilespmem:$0x1B000] =	vst v63  }
0x85: {  	s1 =	smul.u32 $0x6, s1;
	s30 =	sshrl.u32 @!p1 s30, $0xA;
	_ =	swait.ge @!p2 [sflag:s14], $0x2000  }
0x86: {  	p4 =	seq.s32 s29, $0x50;
	s30 =	smul.u32 @!p1 $0x6, s30;
	[sflag:s14] =	ssyncset.done @!p2 $0x0  }
.Ltmp5:
0x87: {  	s1 =	ssub.s32 s0, s1;
	[sflag:s14] =	ssyncadd.s32 @!p2 $0xFFFFE000;
	(pc) =	sbr.rel @!p4 .LBB2_3-.Ltmp5, $4  }
0x88: {  	s1 =	sand.u32 $0xFF, s1;
	s2 =	ssub.s32 @!p1 s2, s30;
	s30 =	smov.u32 s0  }
0x89: {  	s31 =	sshll.u32 s1, $0xD;
	p2 =	por p3, p3;
	s0 =	sand.u32 @!p1 $0xFF, s2  }
0x8a: {  	s28 =	sadd.s32 $0x80, s28;
	s0 =	sshll.u32 @!p1 s0, $0xD  }
0x8b: {  	s1 =	simm.s32 @!p1 $0x0;
	s2 =	simm.s32 @!p1 $0x80;
	s0 =	sadd.s32 @!p1 $0x5000, s0  }
0x8c: {  	[tilespmem:s0], [sflag:$0x1] =	stream.indirect.gather @!p1 [hbm4b:s5+s2], $0x40, s1, s2, $0xb8;
	[tilespmem:$0x1B000] =	vst v63  }
0x8d: {  	p1 =	sgt.u32 @!p2 s30, $0x4B  }
0x8e: {  	p1 =	por p1, p2  }
0x8f: {  	s0 =	sadd.s32 @!p1 $0x4, s30  }
0x90: {  	s1 =	sand.u32 @!p1 $0xFF, s0  }
0x91: {  	s1 =	smul.u32 @!p1 $0xAB, s1  }
0x92: {  	_ =	swait.ge [sflag:s24], $0x2000  }
0x93: {  	[sflag:s24] =	ssyncset.done $0x0;
	s1 =	sshrl.u32 @!p1 s1, $0xA  }
0x94: {  	s31 =	sadd.s32 $0x5000, s31;
	[sflag:s24] =	ssyncadd.s32 $0xFFFFE000;
	s1 =	smul.u32 @!p1 $0x6, s1  }
0x95: {  	[spmem:s3] =	stream.indirect.scatter.add.bf16 [tilespmem:s31], [sflag:$0x2], $0x40, s28, s17, $0xb8;
	[tilespmem:$0x1B000] =	vst v63  }
0x96: {  	s14 =	simm.s32 @!p2 $0x2;
	s0 =	ssub.s32 @!p1 s0, s1  }
.Ltmp6:
0x97: {  	_ =	swait.ge @!p2 [sflag:s14], $0x2000;
	s0 =	sand.u32 @!p1 $0xFF, s0;
	(pc) =	sbr.rel .LBB2_8-.Ltmp6, $4  }
0x98: {  	s2 =	simm.s32 @!p1 $0x0;
	[sflag:s14] =	ssyncset.done @!p2 $0x0;
	s0 =	sshll.u32 @!p1 s0, $0xD  }
0x99: {  	[sflag:s14] =	ssyncadd.s32 @!p2 $0xFFFFE000;
	s1 =	simm.s32 @!p1 $0x80;
	s0 =	sadd.s32 @!p1 $0x5000, s0  }
0x9a: {  	[tilespmem:s0], [sflag:$0x1] =	stream.indirect.gather @!p1 [hbm4b:s5+s1], $0x40, s2, s1, $0xb8;
	[tilespmem:$0x1B000] =	vst v63  }
0x9b: {  	s0 =	rddreg [dreg:$0x1]  }
.LBB2_9:
0x9c: {  	_ =	sfence.sel $0x180000  }
0x9d: {  	[bflag:$0x0] =	sbarrier.arrive $0xFFFF  }
0x9e: {  	_ =	strace $0x9000004A  }
0x9f: {  	s0 =	stileid.u32;
	[bflag:$0x2] =	sbarrier.arrive $0xFFFF  }
0xa0: {  	p0 =	sne.s32 s0, $0x0;
	s0 =	rddreg [dreg:$0x3]  }
0xa1: {  	s0 =	sadd.s32 @!p0 $0x100000, s0  }
0xa2: {  	[sflag:s0] =	ssyncadd.tile.s32 @!p0 $0x1;
	_ =	shalt  }
.Lfunc_end2:
_tile_overlayer_lowered:
.L_overlay_start_2:
0xa3: {  	(tag) =	ssettag $0x2  }
0xa4: {  	s0 =	rddreg [dreg:$0x0];
	s2 =	stileid.u32  }
0xa5: {  	s1 =	rddreg [dreg:$0x1];
	p0 =	sne.s32 s2, $0x0  }
0xa6: {  	s3 =	rddreg [dreg:$0x2];
	[bflag:$0x3] =	sbarrier.arrive $0xFFFF;
	s2 =	simm.s32 @!p0 $0x1C03  }
0xa7: {  	[timem:s3], [sflag:s2] =	dma.local @!p0 [hbm:s0], s1  }
0xa8: {  	s0 =	simm.s32 @!p0 $0x3  }
0xa9: {  	_ =	swait.ge @!p0 [sflag:s0], s1  }
0xaa: {  	s1 =	ssub.s32 @!p0 $0x0, s1;
	[sflag:s0] =	ssyncset.done @!p0 $0x0  }
0xab: {  	[sflag:s0] =	ssyncadd.s32 @!p0 s1  }
0xac: {  	[bflag:$0x3] =	sbarrier.arrive $0xFFFF  }
0xad: {  	_ =	shalt  }

// kernel: kernel.14.cloned.1.call-start
scs
__scs_entry_jumppad:
0x0: {  	(pc) =	sbr.rel $0x88, $3  }
0x1: {  	(tag) =	ssettag $0x0;
	lr =	simm.s32 $0x1  }
0x2: {  	[smem:$0x3F9B] =	sst lr;
	_ =	strace $0xD0000000  }
0x3: {  	_ = 	snop  }
0x4: {  	_ = 	snop  }
0x5: {  	_ = 	snop  }
0x6: {  	_ = 	snop  }
0x7: {  	_ = 	snop  }
__scs_overlays_trampoline_lowered:
0x8: {  	[smem:$0x3FAA] =	sst s0  }
0x9: {  	[smem:$0x3FAB] =	sst s1  }
0xa: {  	[smem:$0x3FAC] =	sst s2  }
0xb: {  	[smem:$0x3FAD] =	sst s3  }
0xc: {  	[smem:$0x3FAE] =	sst s4  }
0xd: {  	[smem:$0x3FAF] =	sst s5  }
0xe: {  	[smem:$0x3FB0] =	sst s6  }
0xf: {  	[smem:$0x3FB1] =	sst s7  }
0x10: {  	[smem:$0x3FB2] =	sst s8  }
0x11: {  	[smem:$0x3FB3] =	sst s9;
	s0 =	simm.s32 @!p0 $0x0  }
0x12: {  	s1 =	sld [smem:$0x3F99];
	s0 =	simm.s32 @p0 $0x1  }
0x13: {  	[smem:$0x3FB4] =	sst s0;
	s0 =	simm.s32 @!p1 $0x0  }
0x14: {  	s2 =	sld [smem:$0x3F98];
	s0 =	simm.s32 @p1 $0x1  }
0x15: {  	[smem:$0x3FB5] =	sst s0;
	s0 =	simm.s32 @!p2 $0x0  }
0x16: {  	s3 =	sld [smem:$0x3FDB];
	s0 =	simm.s32 @p2 $0x1  }
0x17: {  	s4 =	simm.s32 $0x1BF5;
	[smem:$0x3FB7] =	sst s0  }
0x18: {  	s0 =	sld [smem:$0x3F9A];
	_ =	swait.ge [sflag:s4], $0x0  }
0x19: {  	s7 =	sld [smem:$0x3F9B]  }
0x1a: {  	s8 =	sadd.s32 $0xFFFFE003, lr  }
0x1b: {  	s9 =	sadd.s32 $0xFFFFFEF7, lr;
	s5 =	simm.s32 $0xFFFFFFFF;
	p2 =	slt.u32 s8, $0xFFFFF086  }
0x1c: {  	p1 =	slt.u32 s9, $0xF7A;
	s5 =	simm.s32 @!p2 $0x0  }
0x1d: {  	s5 =	simm.s32 @p1 $0x1;
	p0 =	seq.s32 s7, s2  }
0x1e: {  	s7 =	smul.u32 @!p0 $0xF7A, s2;
	p2 =	seq.s32 @!p0 s5, $0x0  }
0x1f: {  	s9 =	smul.u32 $0xF7A, s1;
	s8 =	simm.s32 @!p0 $0x1BF5;
	p2 =	por !p2, p0  }
0x20: {  	[sflag:s8] =	ssyncset.s32 @!p0 $0xFFFFF086;
	s6 =	sadd.s32 @!p0 s3, s7;
	s7 =	simm.s32 @!p0 $0x108  }
0x21: {  	s3 =	sadd.s32 s3, s9;
	s6 =	sadd.s32 @!p0 $0x88, s6;
	s7 =	simm.s32 @p2 $0x1082  }
0x22: {  	[simem:s7], [sflag:s8] =	dma.local @!p0 [hbm:s6], $0xF7A  }
0x23: {  	s9 =	sor.u32 $0xD0000000, s2;
	s6 =	simm.s32 $0x108;
	_ =	swait.ge @!p0 [sflag:s8], $0x0  }
0x24: {  	s3 =	sadd.s32 $0x88, s3;
	s6 =	simm.s32 @!p1 $0x1082;
	[sflag:s4] =	ssyncset.s32 $0xFFFFF086  }
0x25: {  	[simem:s6], [sflag:s4] =	dma.local [hbm:s3], $0xF7A  }
0x26: {  	[smem:$0x3F9B] =	sst s1;
	(tag) =	ssettag s2;
	_ =	strace s9  }
0x27: {  	s1 =	sld [smem:$0x3FAB]  }
0x28: {  	s2 =	sld [smem:$0x3FAC]  }
0x29: {  	s4 =	sld [smem:$0x3FAE]  }
0x2a: {  	p0 =	seq.s32 s5, $0x0;
	s5 =	sld [smem:$0x3FAF]  }
0x2b: {  	s6 =	sld [smem:$0x3FB0]  }
0x2c: {  	s7 =	sld [smem:$0x3FB1]  }
0x2d: {  	s3 =	simm.s32 $0x108;
	s8 =	sld [smem:$0x3FB2]  }
0x2e: {  	s3 =	simm.s32 @!p0 $0x1082;
	s9 =	sld [smem:$0x3FB3]  }
0x2f: {  	lr =	sadd.s32 s0, s3;
	s0 =	sld [smem:$0x3FAA]  }
0x30: {  	s3 =	sld [smem:$0x3FAD]  }
0x31: {  	[smem:$0x3FB6] =	sst s10  }
0x32: {  	s10 =	sld [smem:$0x3FB4];
	_ =	sdelay $0x3  }
0x33: {  	p0 =	seq.s32 s10, $0x1;
	s10 =	sld [smem:$0x3FB6];
	_ =	sdelay $0x3  }
0x34: {  	[smem:$0x3FB6] =	sst s10  }
0x35: {  	s10 =	sld [smem:$0x3FB5];
	_ =	sdelay $0x3  }
0x36: {  	p1 =	seq.s32 s10, $0x1;
	s10 =	sld [smem:$0x3FB6];
	_ =	sdelay $0x3  }
0x37: {  	[smem:$0x3FB6] =	sst s10  }
0x38: {  	s10 =	sld [smem:$0x3FB7]  }
0x39: {  	_ = 	snop;
	(pc) =	sbr.ind lr, $3  }
0x3a: {  	_ = 	snop  }
0x3b: {  	_ = 	snop  }
0x3c: {  	p2 =	seq.s32 s10, $0x1;
	s10 =	sld [smem:$0x3FB6]  }
0x3d: {  	_ =	shalt  }
0x3e: {  	_ =	shalt  }
0x3f: {  	_ =	shalt  }
0x40: {  	_ =	shalt  }
0x41: {  	_ =	shalt  }
0x42: {  	_ =	shalt  }
0x43: {  	_ =	shalt  }
0x44: {  	_ =	shalt  }
0x45: {  	_ =	shalt  }
0x46: {  	_ =	shalt  }
0x47: {  	_ =	shalt  }
0x48: {  	_ =	shalt  }
0x49: {  	_ =	shalt  }
0x4a: {  	_ =	shalt  }
0x4b: {  	_ =	shalt  }
0x4c: {  	_ =	shalt  }
0x4d: {  	_ =	shalt  }
0x4e: {  	_ =	shalt  }
0x4f: {  	_ =	shalt  }
0x50: {  	_ =	shalt  }
0x51: {  	_ =	shalt  }
0x52: {  	_ =	shalt  }
0x53: {  	_ =	shalt  }
0x54: {  	_ =	shalt  }
0x55: {  	_ =	shalt  }
0x56: {  	_ =	shalt  }
0x57: {  	_ =	shalt  }
0x58: {  	_ =	shalt  }
0x59: {  	_ =	shalt  }
0x5a: {  	_ =	shalt  }
0x5b: {  	_ =	shalt  }
0x5c: {  	_ =	shalt  }
0x5d: {  	_ =	shalt  }
0x5e: {  	_ =	shalt  }
0x5f: {  	_ =	shalt  }
0x60: {  	_ =	shalt  }
0x61: {  	_ =	shalt  }
0x62: {  	_ =	shalt  }
0x63: {  	_ =	shalt  }
0x64: {  	_ =	shalt  }
0x65: {  	_ =	shalt  }
0x66: {  	_ =	shalt  }
0x67: {  	_ =	shalt  }
0x68: {  	_ =	shalt  }
0x69: {  	_ =	shalt  }
0x6a: {  	_ =	shalt  }
0x6b: {  	_ =	shalt  }
0x6c: {  	_ =	shalt  }
0x6d: {  	_ =	shalt  }
0x6e: {  	_ =	shalt  }
0x6f: {  	_ =	shalt  }
0x70: {  	_ =	shalt  }
0x71: {  	_ =	shalt  }
0x72: {  	_ =	shalt  }
0x73: {  	_ =	shalt  }
0x74: {  	_ =	shalt  }
0x75: {  	_ =	shalt  }
0x76: {  	_ =	shalt  }
0x77: {  	_ =	shalt  }
0x78: {  	_ =	shalt  }
0x79: {  	_ =	shalt  }
0x7a: {  	_ =	shalt  }
0x7b: {  	_ =	shalt  }
0x7c: {  	_ =	shalt  }
0x7d: {  	_ =	shalt  }
0x7e: {  	_ =	shalt  }
0x7f: {  	_ =	shalt  }
0x80: {  	_ =	shalt  }
0x81: {  	_ =	shalt  }
0x82: {  	_ =	shalt  }
0x83: {  	_ =	shalt  }
0x84: {  	_ =	shalt  }
0x85: {  	_ =	shalt  }
0x86: {  	_ =	shalt  }
0x87: {  	_ =	shalt  }
.Lfunc_end0:
.L_simem_size_0:
called_computation.2_lowered:
.L_overlay_start_0:
0x88: {  	s2 =	sld [smem:$0x3FD9]  }
0x89: {  	s3 =	sld [smem:$0x3FFE];
	_ =	sdelay $0x1  }
0x8a: {  	s1 =	srdreg.scid  }
0x8b: {  	s0 =	sand.u32 $0x1, s1  }
0x8c: {  	s17 =	sshll.u32 s0, $0xA;
	s2 =	sadd.s32 s3, s2  }
0x8d: {  	s2 =	sadd.s32 s2, s17  }
0x8e: {  	[smem:$0x3FC2] =	sst s2  }
0x8f: {  	_ = 	snop  }
0x90: {  	s2 =	sld [smem:$0x3FD0];
	(tm) =	ssettm $0x1  }
0x91: {  	s18 =	sld [smem:$0x3FFB];
	_ =	sdelay $0x3  }
0x92: {  	_ =	strace s18  }
0x93: {  	s3 =	sld [smem:$0x3FFC];
	_ =	sdelay $0x3  }
0x94: {  	_ =	strace s3  }
0x95: {  	s3 =	sld [smem:$0x3FFD];
	_ =	sdelay $0x3  }
0x96: {  	_ =	strace s3  }
0x97: {  	_ =	strace $0x8FFFFFFF  }
0x98: {  	s19 =	sld [smem:$0x3FDB];
	_ =	sdelay $0x1  }
0x99: {  	s4 =	simm.s32 $_scs_section_size  }
0x9a: {  	s5 =	simm.s32 $_size__tile_overlayer_lowered;
	s6 =	simm.s32 $_tile_overlayer_lowered  }
0x9b: {  	s22 =	simm.s32 $0x1BFF;
	s21 =	sshll.u32 s6, $0x1;
	s3 =	sadd.s32 s4, s19  }
0x9c: {  	s7 =	simm.s32 $0x0;
	s20 =	sshll.u32 s5, $0x1;
	s5 =	sadd.s32 s21, s3  }
0x9d: {  	[timem:s7], [sflag:s22] =	dma.local [hbm:s5], s20  }
0x9e: {  	_ =	swait.ge [sflag:s22], s20  }
0x9f: {  	s4 =	ssub.s32 $0x0, s20;
	[sflag:s22] =	ssyncset.done $0x0  }
0xa0: {  	[sflag:s22] =	ssyncadd.s32 s4;
	_ =	sdelay $0x1  }
0xa1: {  	s23 =	simm.s32 $0x1B8B  }
0xa2: {  	_ =	swait.ge [sflag:s23], $0x1  }
0xa3: {  	[sflag:s23] =	ssyncset.done $0x0  }
0xa4: {  	s25 =	simm.s32 $0x1B8E;
	s24 =	sld [smem:$0x3FFE];
	[sflag:s23] =	ssyncadd.s32 $0xFFFFFFFF  }
0xa5: {  	s26 =	simm.s32 $execute0_lowered;
	[smem:$0x3FD2] =	sst s25  }
0xa6: {  	s5 =	sshll.u32 s26, $0x1;
	_ =	strace $0x8000004C;
	[dreg:$0x1] =	wrdreg $0xFFFFFFFF  }
0xa7: {  	s28 =	simm.s32 $_size_execute0_lowered;
	s3 =	sadd.s32 s3, s5;
	[dreg:$0x0] =	wrdreg $0x0  }
0xa8: {  	s5 =	sshll.u32 s28, $0x1;
	[dreg:$0x2] =	wrdreg s3  }
0xa9: {  	[dreg:$0x3] =	wrdreg s5  }
0xaa: {  	[dreg:$0x4] =	wrdreg $0xC0  }
0xab: {  	_ =	task [dreg:s7], $0x5FFFF  }
0xac: {  	[dreg:$0x1] =	wrdreg $0xFFFFFFFF  }
0xad: {  	[dreg:$0x0] =	wrdreg $0x60  }
0xae: {  	[dreg:$0x2] =	wrdreg s24  }
0xaf: {  	[dreg:$0x3] =	wrdreg s2  }
0xb0: {  	[dreg:$0x4] =	wrdreg $0x110000  }
0xb1: {  	[dreg:$0x5] =	wrdreg $0x9  }
0xb2: {  	_ =	task.clear_ibuf [dreg:s7], $0x6FFFF;
	_ =	strace $0x9000004C  }
0xb3: {  	s29 =	simm.s32 $0x9;
	_ =	strace $0x8000004E  }
0xb4: {  	_ =	swait.ge [sflag:s29], $0x1  }
0xb5: {  	[sflag:s29] =	ssyncadd.s32 $0xFFFFFFFF  }
0xb6: {  	_ =	strace $0x9000004E  }
0xb7: {  	_ =	sfence  }
0xb8: {  	s30 =	sld [smem:$0x0];
	_ =	sdelay $0x2  }
0xb9: {  	s31 =	sshll.u32 s1, $0xD;
	s1 =	sshrl.u32 s1, $0x2  }
0xba: {  	s3 =	sand.u32 $0x4000, s31;
	s1 =	sadd.s32 s1, s30  }
0xbb: {  	s0 =	sor.u32 s3, s0;
	s1 =	sshll.u32 s1, $0x11  }
0xbc: {  	s0 =	sor.u32 s1, s0  }
0xbd: {  	s0 =	sadd.s32 $0x8F2B, s0  }
0xbe: {  	[sflag:s0] =	ssyncadd.remote.s32 $0x1  }
0xbf: {  	_ =	sfence.sel $0xFFFF  }
0xc0: {  	[dreg:$0x0] =	wrdreg $0xFFFFFFFF;
	(pc) =	sbr.abs _section_cstart, $3  }
0xc1: {  	[dreg:$0x1] =	wrdreg $0xFFFFFFFF  }
0xc2: {  	_ =	task.clear_ibuf [dreg:s7], $0x2FFFF;
	_ =	strace $0x9FFFFFFF  }
0xc3: {  	(tm) =	ssettm $0x7FFFFFFF  }
tec
execute0_lowered:
.L_overlay_start_1:
0x0: {  	(tag) =	ssettag $0x1  }
0x1: {  	s0 =	rddreg [dreg:$0x0]  }
0x2: {  	s3 =	rddreg [dreg:$0x2];
	s4 =	simm.s32 $0x0;
	s14 =	stileid.u32  }
0x3: {  	s2 =	srdreg.scid;
	s13 =	simm.s32 $0x3;
	s17 =	simm.s32 $0x80  }
0x4: {  	s18 =	simm.s32 $0x5000;
	s19 =	simm.s32 $0x7000;
	s20 =	simm.s32 $0x9000  }
0x5: {  	s21 =	simm.s32 $0xB000;
	s22 =	simm.s32 $0xD000;
	s23 =	simm.s32 $0xF000  }
0x6: {  	s24 =	simm.s32 $0x1;
	s25 =	simm.s32 $0x2;
	s26 =	simm.s32 $0x0  }
0x7: {  	[smem:$0x7FF] =	sst s4;
	s1 =	smul.u32 $0x500, s14;
	s5 =	sadd.s32 $0x71800, s0  }
0x8: {  	s2 =	sand.u32 $0x1, s2;
	s6 =	sadd.s32 $0x5DE00, s0;
	s7 =	sadd.s32 $0x7A00, s0  }
0x9: {  	s11 =	smul.u32 $0x14000, s14;
	s8 =	sadd.s32 $0x85200, s0;
	s31 =	sshll.u32 s14, $0x6  }
.Ltmp0:
0xa: {  	_ =	strace $0x8000004D;
	s9 =	ssub.s32 $0x2, s2;
	(pc) =	sbr.rel .LBB2_1-.Ltmp0, $4  }
0xb: {  	p0 =	seq.s32 s2, $0x1;
	s15 =	sor.u32 $0x1C03, s31;
	s10 =	sshrl.u32 s9, $0x1  }
0xc: {  	s1 =	sadd.s32 s1, s0;
	s30 =	sshrl.u32 s11, $0x1;
	s29 =	ssub.s32 s9, s10  }
0xd: {  	s9 =	sadd.s32 $0x8E00, s1;
	s10 =	sadd.s32 $0x2400, s1;
	s1 =	sadd.s32 s30, s3  }
0xe: {  	s11 =	sshrl.u32 s11, $0x4;
	s12 =	smax.u32 s29, $0x1;
	s16 =	sshrl.u32 s1, $0x3  }
.LBB2_7:
0xf: {  	[tilespmem:s0], [sflag:$0x1] =	stream.indirect.gather @!p1 [hbm4b:s6+s2], $0x40, s1, s2, $0xb8;
	[tilespmem:$0x1B000] =	vst v63  }
0x10: {  	p1 =	sgt.u32 @!p2 s30, $0x4B  }
0x11: {  	p1 =	por p1, p2  }
0x12: {  	s0 =	sadd.s32 @!p1 $0x4, s30  }
0x13: {  	s1 =	sand.u32 @!p1 $0xFF, s0  }
0x14: {  	s1 =	smul.u32 @!p1 $0xAB, s1  }
0x15: {  	_ =	swait.ge [sflag:s24], $0x2000  }
0x16: {  	[sflag:s24] =	ssyncset.done $0x0;
	s1 =	sshrl.u32 @!p1 s1, $0xA  }
0x17: {  	s31 =	sadd.s32 $0x5000, s31;
	[sflag:s24] =	ssyncadd.s32 $0xFFFFE000;
	s1 =	smul.u32 @!p1 $0x6, s1  }
0x18: {  	[spmem:s3] =	stream.indirect.scatter.add.bf16 [tilespmem:s31], [sflag:$0x2], $0x40, s28, s17, $0xb8;
	[tilespmem:$0x1B000] =	vst v63  }
0x19: {  	s14 =	simm.s32 @!p2 $0x2;
	s0 =	ssub.s32 @!p1 s0, s1  }
0x1a: {  	_ =	swait.ge @!p2 [sflag:s14], $0x2000;
	s0 =	sand.u32 @!p1 $0xFF, s0  }
0x1b: {  	s2 =	simm.s32 @!p1 $0x0;
	[sflag:s14] =	ssyncset.done @!p2 $0x0;
	s0 =	sshll.u32 @!p1 s0, $0xD  }
0x1c: {  	[sflag:s14] =	ssyncadd.s32 @!p2 $0xFFFFE000;
	s1 =	simm.s32 @!p1 $0x80;
	s0 =	sadd.s32 @!p1 $0x5000, s0  }
0x1d: {  	[tilespmem:s0], [sflag:$0x1] =	stream.indirect.gather @!p1 [hbm4b:s6+s1], $0x40, s2, s1, $0xb8;
	[tilespmem:$0x1B000] =	vst v63  }
0x1e: {  	s0 =	smov.u32 s8  }
.LBB2_8:
0x1f: {  	_ =	swait.ge [sflag:s25], $0x2000  }
0x20: {  	[sflag:s25] =	ssyncset.done $0x0  }
0x21: {  	[sflag:s25] =	ssyncadd.s32 $0xFFFFE000  }
0x22: {  	_ =	swait.ge [sflag:s25], $0x2000  }
0x23: {  	s26 =	sadd.s32 $0x1, s26;
	[sflag:s25] =	ssyncset.done $0x0  }
0x24: {  	p1 =	sne.s32 s26, s12;
	[sflag:s25] =	ssyncadd.s32 $0xFFFFE000  }
.Ltmp1:
0x25: {  	s0 =	sadd.s32 s0, s11;
	[bflag:$0x0] =	sbarrier.arrive $0xFFFF;
	(pc) =	sbr.rel @!p1 .LBB2_9-.Ltmp1, $4  }
0x26: {  	[hbm:s0], [sflag:s15] =	dma.local [spmem:s16], $0x1400  }
0x27: {  	_ =	swait.ge [sflag:s13], $0x1400  }
0x28: {  	[sflag:s13] =	ssyncset.done $0x0  }
0x29: {  	[sflag:s13] =	ssyncadd.s32 $0xFFFFEC00  }
.LBB2_1:
0x2a: {  	[tilespmem:s4], [sflag:$0x3] =	stream.linear.gather [hbm4b:s9+s4], $0x2800, $0x38;
	[tilespmem:$0x1B000] =	vst v63  }
0x2b: {  	_ =	swait.ge [sflag:s13], $0x2800  }
0x2c: {  	[sflag:s13] =	ssyncset.done $0x0  }
0x2d: {  	s0 =	simm.s32 $0x2800;
	[sflag:s13] =	ssyncadd.s32 $0xFFFFD800  }
0x2e: {  	[tilespmem:s0], [sflag:$0x3] =	stream.linear.gather [hbm4b:s10+s4], $0x2800, $0x38;
	[tilespmem:$0x1B000] =	vst v63  }
0x2f: {  	_ =	swait.ge [sflag:s13], $0x2800  }
0x30: {  	[sflag:s13] =	ssyncset.done $0x0  }
0x31: {  	[sflag:s13] =	ssyncadd.s32 $0xFFFFD800  }
0x32: {  	[spmem:s16], [sflag:s15] =	dma.local [hbm:s7], $0x1400  }
.Ltmp2:
0x33: {  	_ =	swait.ge [sflag:s13], $0x1400;
	(pc) =	sbr.rel @!p0 .LBB2_2-.Ltmp2, $4  }
0x34: {  	[sflag:s13] =	ssyncset.done $0x0  }
0x35: {  	[sflag:s13] =	ssyncadd.s32 $0xFFFFEC00  }
0x36: {  	[bflag:$0x0] =	sbarrier.arrive $0xFFFF  }
0x37: {  	s0 =	simm.s32 $0x0  }
0x38: {  	[tilespmem:s18], [sflag:$0x1] =	stream.indirect.gather [hbm4b:s6+s17], $0x40, s0, s17, $0xb8;
	[tilespmem:$0x1B000] =	vst v63  }
0x39: {  	_ = 	snop  }
0x3a: {  	[tilespmem:s19], [sflag:$0x1] =	stream.indirect.gather [hbm4b:s6+s17], $0x40, s0, s17, $0xb8;
	[tilespmem:$0x1B000] =	vst v63  }
0x3b: {  	_ = 	snop  }
0x3c: {  	[tilespmem:s20], [sflag:$0x1] =	stream.indirect.gather [hbm4b:s6+s17], $0x40, s0, s17, $0xb8;
	[tilespmem:$0x1B000] =	vst v63  }
0x3d: {  	_ = 	snop  }
0x3e: {  	[tilespmem:s21], [sflag:$0x1] =	stream.indirect.gather [hbm4b:s6+s17], $0x40, s0, s17, $0xb8;
	[tilespmem:$0x1B000] =	vst v63  }
0x3f: {  	s1 =	smul.u32 $0xAB, s0  }
0x40: {  	[tilespmem:s22], [sflag:$0x1] =	stream.indirect.gather [hbm4b:s6+s17], $0x40, s0, s17, $0xb8;
	[tilespmem:$0x1B000] =	vst v63  }
0x41: {  	s30 =	simm.s32 $0x1;
	s14 =	sshrl.u32 s1, $0xA  }
0x42: {  	[tilespmem:s23], [sflag:$0x1] =	stream.indirect.gather [hbm4b:s6+s17], $0x40, s0, s17, $0xb8;
	[tilespmem:$0x1B000] =	vst v63  }
0x43: {  	p1 =	por $0x1, $0x1;
	s2 =	smul.u32 $0xAB, s30;
	s0 =	sand.u32 $0x3F, s14  }
0x44: {  	p2 =	por p1, p1;
	s0 =	smul.u32 $0x6, s0  }
0x45: {  	s1 =	simm.s32 $0x2800;
	p1 =	por @!p2 $0x0, $0x0;
	s2 =	sshrl.u32 s2, $0xA  }
0x46: {  	p1 =	por p1, p2;
	s2 =	sand.u32 $0x3F, s2;
	s0 =	ssub.s32 $0x0, s0  }
0x47: {  	s14 =	simm.s32 @!p1 $0x4;
	_ =	swait.ge [sflag:s24], $0x2000;
	s0 =	sand.u32 $0xFF, s0  }
0x48: {  	s14 =	sand.u32 @!p1 $0xFF, s14;
	[sflag:s24] =	ssyncset.done $0x0;
	s0 =	sshll.u32 s0, $0xD  }
0x49: {  	s14 =	smul.u32 @!p1 $0xAB, s14;
	[sflag:s24] =	ssyncadd.s32 $0xFFFFE000;
	s0 =	sadd.s32 $0x5000, s0  }
0x4a: {  	[spmem:s3] =	stream.indirect.scatter.add.bf16 [tilespmem:s0], [sflag:$0x2], $0x40, s1, s17, $0xb8;
	[tilespmem:$0x1B000] =	vst v63  }
0x4b: {  	s0 =	smul.u32 $0x6, s2;
	s1 =	sshrl.u32 @!p1 s14, $0xA  }
0x4c: {  	s29 =	simm.s32 $0x2;
	p3 =	por $0x1, $0x1;
	s1 =	smul.u32 @!p1 $0x6, s1  }
0x4d: {  	s28 =	simm.s32 $0x2880;
	s2 =	simm.s32 @!p2 $0x2;
	s0 =	ssub.s32 $0x1, s0  }
0x4e: {  	_ =	swait.ge @!p2 [sflag:s2], $0x2000;
	s0 =	sand.u32 $0xFF, s0;
	s1 =	ssub.s32 @!p1 $0x4, s1  }
0x4f: {  	[sflag:s2] =	ssyncset.done @!p2 $0x0;
	s31 =	sshll.u32 s0, $0xD;
	s0 =	sand.u32 @!p1 $0xFF, s1  }
0x50: {  	[sflag:s2] =	ssyncadd.s32 @!p2 $0xFFFFE000;
	p2 =	por p3, p3;
	s0 =	sshll.u32 @!p1 s0, $0xD  }
0x51: {  	s2 =	simm.s32 @!p1 $0x80;
	s1 =	simm.s32 @!p1 $0x0;
	s0 =	sadd.s32 @!p1 $0x5000, s0  }
.LBB2_6:
0x52: {  	[tilespmem:s0], [sflag:$0x1] =	stream.indirect.gather @!p1 [hbm4b:s6+s2], $0x40, s1, s2, $0xb8;
	[tilespmem:$0x1B000] =	vst v63  }
0x53: {  	s0 =	smov.u32 s29  }
0x54: {  	s1 =	smul.u32 $0xAB, s29;
	p1 =	sgt.u32 @!p2 s30, $0x4B;
	_ =	swait.ge [sflag:s24], $0x2000  }
0x55: {  	s29 =	sadd.s32 $0x1, s29;
	p1 =	por p1, p2;
	[sflag:s24] =	ssyncset.done $0x0  }
0x56: {  	s1 =	sshrl.u32 s1, $0xA;
	s2 =	sadd.s32 @!p1 $0x4, s30;
	[sflag:s24] =	ssyncadd.s32 $0xFFFFE000  }
0x57: {  	p3 =	slt.u32 s0, $0x2;
	s1 =	sand.u32 $0x3F, s1;
	s14 =	sand.u32 @!p1 $0xFF, s2  }
0x58: {  	s30 =	sadd.s32 $0x5000, s31;
	s31 =	simm.s32 @!p2 $0x2;
	s14 =	smul.u32 @!p1 $0xAB, s14  }
0x59: {  	[spmem:s3] =	stream.indirect.scatter.add.bf16 [tilespmem:s30], [sflag:$0x2], $0x40, s28, s17, $0xb8;
	[tilespmem:$0x1B000] =	vst v63  }
0x5a: {  	s1 =	smul.u32 $0x6, s1;
	s14 =	sshrl.u32 @!p1 s14, $0xA;
	_ =	swait.ge @!p2 [sflag:s31], $0x2000  }
0x5b: {  	p4 =	sne.s32 s29, $0x50;
	s14 =	smul.u32 @!p1 $0x6, s14;
	[sflag:s31] =	ssyncset.done @!p2 $0x0  }
.Ltmp3:
0x5c: {  	s1 =	ssub.s32 s0, s1;
	[sflag:s31] =	ssyncadd.s32 @!p2 $0xFFFFE000;
	(pc) =	sbr.rel @p4 .LBB2_6-.Ltmp3, $4  }
0x5d: {  	s30 =	smov.u32 s0;
	s1 =	sand.u32 $0xFF, s1;
	s2 =	ssub.s32 @!p1 s2, s14  }
0x5e: {  	s31 =	sshll.u32 s1, $0xD;
	p2 =	por p3, p3;
	s0 =	sand.u32 @!p1 $0xFF, s2  }
0x5f: {  	s28 =	sadd.s32 $0x80, s28;
	s0 =	sshll.u32 @!p1 s0, $0xD  }
0x60: {  	s1 =	simm.s32 @!p1 $0x0;
	s2 =	simm.s32 @!p1 $0x80;
	s0 =	sadd.s32 @!p1 $0x5000, s0  }
.Ltmp4:
0x61: {  	_ = 	snop;
	(pc) =	sbr.rel .LBB2_7-.Ltmp4, $1  }
0x62: {  	_ =	sdelay $0x3  }
.LBB2_2:
0x63: {  	[tilespmem:s18], [sflag:$0x1] =	stream.indirect.gather [hbm4b:s5+s17], $0x40, s0, s17, $0xb8;
	[tilespmem:$0x1B000] =	vst v63  }
0x64: {  	_ = 	snop  }
0x65: {  	[tilespmem:s19], [sflag:$0x1] =	stream.indirect.gather [hbm4b:s5+s17], $0x40, s0, s17, $0xb8;
	[tilespmem:$0x1B000] =	vst v63  }
0x66: {  	_ = 	snop  }
0x67: {  	[tilespmem:s20], [sflag:$0x1] =	stream.indirect.gather [hbm4b:s5+s17], $0x40, s0, s17, $0xb8;
	[tilespmem:$0x1B000] =	vst v63  }
0x68: {  	_ = 	snop  }
0x69: {  	[tilespmem:s21], [sflag:$0x1] =	stream.indirect.gather [hbm4b:s5+s17], $0x40, s0, s17, $0xb8;
	[tilespmem:$0x1B000] =	vst v63  }
0x6a: {  	s1 =	smul.u32 $0xAB, s0;
	p1 =	por $0x1, $0x1  }
0x6b: {  	[tilespmem:s22], [sflag:$0x1] =	stream.indirect.gather [hbm4b:s5+s17], $0x40, s0, s17, $0xb8;
	[tilespmem:$0x1B000] =	vst v63  }
0x6c: {  	p2 =	por p1, p1;
	s2 =	sshrl.u32 s1, $0xA  }
0x6d: {  	[tilespmem:s23], [sflag:$0x1] =	stream.indirect.gather [hbm4b:s5+s17], $0x40, s0, s17, $0xb8;
	[tilespmem:$0x1B000] =	vst v63  }
0x6e: {  	p1 =	por @!p2 $0x0, $0x0;
	s0 =	sand.u32 $0x3F, s2  }
0x6f: {  	p1 =	por p1, p2;
	s0 =	smul.u32 $0x6, s0  }
0x70: {  	s14 =	simm.s32 $0x2800;
	s30 =	simm.s32 $0x1;
	s28 =	simm.s32 @!p1 $0x4  }
0x71: {  	s28 =	sand.u32 @!p1 $0xFF, s28;
	s2 =	smul.u32 $0xAB, s30;
	s0 =	ssub.s32 $0x0, s0  }
0x72: {  	s28 =	smul.u32 @!p1 $0xAB, s28;
	_ =	swait.ge [sflag:s24], $0x2000;
	s0 =	sand.u32 $0xFF, s0  }
0x73: {  	[sflag:s24] =	ssyncset.done $0x0;
	s2 =	sshrl.u32 s2, $0xA;
	s0 =	sshll.u32 s0, $0xD  }
0x74: {  	[sflag:s24] =	ssyncadd.s32 $0xFFFFE000;
	s2 =	sand.u32 $0x3F, s2;
	s0 =	sadd.s32 $0x5000, s0  }
0x75: {  	[spmem:s3] =	stream.indirect.scatter.add.bf16 [tilespmem:s0], [sflag:$0x2], $0x40, s14, s17, $0xb8;
	[tilespmem:$0x1B000] =	vst v63  }
0x76: {  	s1 =	sshrl.u32 @!p1 s28, $0xA;
	s14 =	smul.u32 $0x6, s2  }
0x77: {  	s29 =	simm.s32 $0x2;
	p3 =	por $0x1, $0x1;
	s1 =	smul.u32 @!p1 $0x6, s1  }
0x78: {  	s28 =	simm.s32 $0x2880;
	s2 =	simm.s32 @!p2 $0x2;
	s0 =	ssub.s32 $0x1, s14  }
0x79: {  	s1 =	ssub.s32 @!p1 $0x4, s1;
	_ =	swait.ge @!p2 [sflag:s2], $0x2000;
	s0 =	sand.u32 $0xFF, s0  }
0x7a: {  	[sflag:s2] =	ssyncset.done @!p2 $0x0;
	s31 =	sshll.u32 s0, $0xD;
	s0 =	sand.u32 @!p1 $0xFF, s1  }
0x7b: {  	[sflag:s2] =	ssyncadd.s32 @!p2 $0xFFFFE000;
	p2 =	por p3, p3;
	s0 =	sshll.u32 @!p1 s0, $0xD  }
0x7c: {  	s2 =	simm.s32 @!p1 $0x80;
	s1 =	simm.s32 @!p1 $0x0;
	s0 =	sadd.s32 @!p1 $0x5000, s0  }
.LBB2_3:
0x7d: {  	[tilespmem:s0], [sflag:$0x1] =	stream.indirect.gather @!p1 [hbm4b:s5+s2], $0x40, s1, s2, $0xb8;
	[tilespmem:$0x1B000] =	vst v63  }
0x7e: {  	s0 =	smov.u32 s29  }
0x7f: {  	s1 =	smul.u32 $0xAB, s29;
	p1 =	sgt.u32 @!p2 s30, $0x4B;
	_ =	swait.ge [sflag:s24], $0x2000  }
0x80: {  	s29 =	sadd.s32 $0x1, s29;
	p1 =	por p1, p2;
	[sflag:s24] =	ssyncset.done $0x0  }
0x81: {  	s1 =	sshrl.u32 s1, $0xA;
	s2 =	sadd.s32 @!p1 $0x4, s30;
	[sflag:s24] =	ssyncadd.s32 $0xFFFFE000  }
0x82: {  	p3 =	slt.u32 s0, $0x2;
	s1 =	sand.u32 $0x3F, s1;
	s30 =	sand.u32 @!p1 $0xFF, s2  }
0x83: {  	s31 =	sadd.s32 $0x5000, s31;
	s14 =	simm.s32 @!p2 $0x2;
	s30 =	smul.u32 @!p1 $0xAB, s30  }
0x84: {  	[spmem:s3] =	stream.indirect.scatter.add.bf16 [tilespmem:s31], [sflag:$0x2], $0x40, s28, s17, $0xb8;
	[tilespmem:$0x1B000] =	vst v63  }
0x85: {  	s1 =	smul.u32 $0x6, s1;
	s30 =	sshrl.u32 @!p1 s30, $0xA;
	_ =	swait.ge @!p2 [sflag:s14], $0x2000  }
0x86: {  	p4 =	seq.s32 s29, $0x50;
	s30 =	smul.u32 @!p1 $0x6, s30;
	[sflag:s14] =	ssyncset.done @!p2 $0x0  }
.Ltmp5:
0x87: {  	s1 =	ssub.s32 s0, s1;
	[sflag:s14] =	ssyncadd.s32 @!p2 $0xFFFFE000;
	(pc) =	sbr.rel @!p4 .LBB2_3-.Ltmp5, $4  }
0x88: {  	s1 =	sand.u32 $0xFF, s1;
	s2 =	ssub.s32 @!p1 s2, s30;
	s30 =	smov.u32 s0  }
0x89: {  	s31 =	sshll.u32 s1, $0xD;
	p2 =	por p3, p3;
	s0 =	sand.u32 @!p1 $0xFF, s2  }
0x8a: {  	s28 =	sadd.s32 $0x80, s28;
	s0 =	sshll.u32 @!p1 s0, $0xD  }
0x8b: {  	s1 =	simm.s32 @!p1 $0x0;
	s2 =	simm.s32 @!p1 $0x80;
	s0 =	sadd.s32 @!p1 $0x5000, s0  }
0x8c: {  	[tilespmem:s0], [sflag:$0x1] =	stream.indirect.gather @!p1 [hbm4b:s5+s2], $0x40, s1, s2, $0xb8;
	[tilespmem:$0x1B000] =	vst v63  }
0x8d: {  	p1 =	sgt.u32 @!p2 s30, $0x4B  }
0x8e: {  	p1 =	por p1, p2  }
0x8f: {  	s0 =	sadd.s32 @!p1 $0x4, s30  }
0x90: {  	s1 =	sand.u32 @!p1 $0xFF, s0  }
0x91: {  	s1 =	smul.u32 @!p1 $0xAB, s1  }
0x92: {  	_ =	swait.ge [sflag:s24], $0x2000  }
0x93: {  	[sflag:s24] =	ssyncset.done $0x0;
	s1 =	sshrl.u32 @!p1 s1, $0xA  }
0x94: {  	s31 =	sadd.s32 $0x5000, s31;
	[sflag:s24] =	ssyncadd.s32 $0xFFFFE000;
	s1 =	smul.u32 @!p1 $0x6, s1  }
0x95: {  	[spmem:s3] =	stream.indirect.scatter.add.bf16 [tilespmem:s31], [sflag:$0x2], $0x40, s28, s17, $0xb8;
	[tilespmem:$0x1B000] =	vst v63  }
0x96: {  	s14 =	simm.s32 @!p2 $0x2;
	s0 =	ssub.s32 @!p1 s0, s1  }
.Ltmp6:
0x97: {  	_ =	swait.ge @!p2 [sflag:s14], $0x2000;
	s0 =	sand.u32 @!p1 $0xFF, s0;
	(pc) =	sbr.rel .LBB2_8-.Ltmp6, $4  }
0x98: {  	s2 =	simm.s32 @!p1 $0x0;
	[sflag:s14] =	ssyncset.done @!p2 $0x0;
	s0 =	sshll.u32 @!p1 s0, $0xD  }
0x99: {  	[sflag:s14] =	ssyncadd.s32 @!p2 $0xFFFFE000;
	s1 =	simm.s32 @!p1 $0x80;
	s0 =	sadd.s32 @!p1 $0x5000, s0  }
0x9a: {  	[tilespmem:s0], [sflag:$0x1] =	stream.indirect.gather @!p1 [hbm4b:s5+s1], $0x40, s2, s1, $0xb8;
	[tilespmem:$0x1B000] =	vst v63  }
0x9b: {  	s0 =	rddreg [dreg:$0x1]  }
.LBB2_9:
0x9c: {  	_ =	sfence.sel $0x180000  }
0x9d: {  	[bflag:$0x0] =	sbarrier.arrive $0xFFFF  }
0x9e: {  	_ =	strace $0x9000004D  }
0x9f: {  	s0 =	stileid.u32;
	[bflag:$0x2] =	sbarrier.arrive $0xFFFF  }
0xa0: {  	p0 =	sne.s32 s0, $0x0;
	s0 =	rddreg [dreg:$0x3]  }
0xa1: {  	s0 =	sadd.s32 @!p0 $0x100000, s0  }
0xa2: {  	[sflag:s0] =	ssyncadd.tile.s32 @!p0 $0x1;
	_ =	shalt  }
.Lfunc_end2:
_tile_overlayer_lowered:
.L_overlay_start_2:
0xa3: {  	(tag) =	ssettag $0x2  }
0xa4: {  	s0 =	rddreg [dreg:$0x0];
	s2 =	stileid.u32  }
0xa5: {  	s1 =	rddreg [dreg:$0x1];
	p0 =	sne.s32 s2, $0x0  }
0xa6: {  	s3 =	rddreg [dreg:$0x2];
	[bflag:$0x3] =	sbarrier.arrive $0xFFFF;
	s2 =	simm.s32 @!p0 $0x1C03  }
0xa7: {  	[timem:s3], [sflag:s2] =	dma.local @!p0 [hbm:s0], s1  }
0xa8: {  	s0 =	simm.s32 @!p0 $0x3  }
0xa9: {  	_ =	swait.ge @!p0 [sflag:s0], s1  }
0xaa: {  	s1 =	ssub.s32 @!p0 $0x0, s1;
	[sflag:s0] =	ssyncset.done @!p0 $0x0  }
0xab: {  	[sflag:s0] =	ssyncadd.s32 @!p0 s1  }
0xac: {  	[bflag:$0x3] =	sbarrier.arrive $0xFFFF  }
0xad: {  	_ =	shalt  }

// kernel: kernel.8.cloned.1.call-start
scs
__scs_entry_jumppad:
0x0: {  	(pc) =	sbr.rel $0x88, $3  }
0x1: {  	(tag) =	ssettag $0x0;
	lr =	simm.s32 $0x1  }
0x2: {  	[smem:$0x3F9B] =	sst lr;
	_ =	strace $0xD0000000  }
0x3: {  	_ = 	snop  }
0x4: {  	_ = 	snop  }
0x5: {  	_ = 	snop  }
0x6: {  	_ = 	snop  }
0x7: {  	_ = 	snop  }
__scs_overlays_trampoline_lowered:
0x8: {  	[smem:$0x3FAA] =	sst s0  }
0x9: {  	[smem:$0x3FAB] =	sst s1  }
0xa: {  	[smem:$0x3FAC] =	sst s2  }
0xb: {  	[smem:$0x3FAD] =	sst s3  }
0xc: {  	[smem:$0x3FAE] =	sst s4  }
0xd: {  	[smem:$0x3FAF] =	sst s5  }
0xe: {  	[smem:$0x3FB0] =	sst s6  }
0xf: {  	[smem:$0x3FB1] =	sst s7  }
0x10: {  	[smem:$0x3FB2] =	sst s8  }
0x11: {  	[smem:$0x3FB3] =	sst s9;
	s0 =	simm.s32 @!p0 $0x0  }
0x12: {  	s1 =	sld [smem:$0x3F99];
	s0 =	simm.s32 @p0 $0x1  }
0x13: {  	[smem:$0x3FB4] =	sst s0;
	s0 =	simm.s32 @!p1 $0x0  }
0x14: {  	s2 =	sld [smem:$0x3F98];
	s0 =	simm.s32 @p1 $0x1  }
0x15: {  	[smem:$0x3FB5] =	sst s0;
	s0 =	simm.s32 @!p2 $0x0  }
0x16: {  	s3 =	sld [smem:$0x3FDB];
	s0 =	simm.s32 @p2 $0x1  }
0x17: {  	s4 =	simm.s32 $0x1BF5;
	[smem:$0x3FB7] =	sst s0  }
0x18: {  	s0 =	sld [smem:$0x3F9A];
	_ =	swait.ge [sflag:s4], $0x0  }
0x19: {  	s7 =	sld [smem:$0x3F9B]  }
0x1a: {  	s8 =	sadd.s32 $0xFFFFE003, lr  }
0x1b: {  	s9 =	sadd.s32 $0xFFFFFEF7, lr;
	s5 =	simm.s32 $0xFFFFFFFF;
	p2 =	slt.u32 s8, $0xFFFFF086  }
0x1c: {  	p1 =	slt.u32 s9, $0xF7A;
	s5 =	simm.s32 @!p2 $0x0  }
0x1d: {  	s5 =	simm.s32 @p1 $0x1;
	p0 =	seq.s32 s7, s2  }
0x1e: {  	s7 =	smul.u32 @!p0 $0xF7A, s2;
	p2 =	seq.s32 @!p0 s5, $0x0  }
0x1f: {  	s9 =	smul.u32 $0xF7A, s1;
	s8 =	simm.s32 @!p0 $0x1BF5;
	p2 =	por !p2, p0  }
0x20: {  	[sflag:s8] =	ssyncset.s32 @!p0 $0xFFFFF086;
	s6 =	sadd.s32 @!p0 s3, s7;
	s7 =	simm.s32 @!p0 $0x108  }
0x21: {  	s3 =	sadd.s32 s3, s9;
	s6 =	sadd.s32 @!p0 $0x88, s6;
	s7 =	simm.s32 @p2 $0x1082  }
0x22: {  	[simem:s7], [sflag:s8] =	dma.local @!p0 [hbm:s6], $0xF7A  }
0x23: {  	s9 =	sor.u32 $0xD0000000, s2;
	s6 =	simm.s32 $0x108;
	_ =	swait.ge @!p0 [sflag:s8], $0x0  }
0x24: {  	s3 =	sadd.s32 $0x88, s3;
	s6 =	simm.s32 @!p1 $0x1082;
	[sflag:s4] =	ssyncset.s32 $0xFFFFF086  }
0x25: {  	[simem:s6], [sflag:s4] =	dma.local [hbm:s3], $0xF7A  }
0x26: {  	[smem:$0x3F9B] =	sst s1;
	(tag) =	ssettag s2;
	_ =	strace s9  }
0x27: {  	s1 =	sld [smem:$0x3FAB]  }
0x28: {  	s2 =	sld [smem:$0x3FAC]  }
0x29: {  	s4 =	sld [smem:$0x3FAE]  }
0x2a: {  	p0 =	seq.s32 s5, $0x0;
	s5 =	sld [smem:$0x3FAF]  }
0x2b: {  	s6 =	sld [smem:$0x3FB0]  }
0x2c: {  	s7 =	sld [smem:$0x3FB1]  }
0x2d: {  	s3 =	simm.s32 $0x108;
	s8 =	sld [smem:$0x3FB2]  }
0x2e: {  	s3 =	simm.s32 @!p0 $0x1082;
	s9 =	sld [smem:$0x3FB3]  }
0x2f: {  	lr =	sadd.s32 s0, s3;
	s0 =	sld [smem:$0x3FAA]  }
0x30: {  	s3 =	sld [smem:$0x3FAD]  }
0x31: {  	[smem:$0x3FB6] =	sst s10  }
0x32: {  	s10 =	sld [smem:$0x3FB4];
	_ =	sdelay $0x3  }
0x33: {  	p0 =	seq.s32 s10, $0x1;
	s10 =	sld [smem:$0x3FB6];
	_ =	sdelay $0x3  }
0x34: {  	[smem:$0x3FB6] =	sst s10  }
0x35: {  	s10 =	sld [smem:$0x3FB5];
	_ =	sdelay $0x3  }
0x36: {  	p1 =	seq.s32 s10, $0x1;
	s10 =	sld [smem:$0x3FB6];
	_ =	sdelay $0x3  }
0x37: {  	[smem:$0x3FB6] =	sst s10  }
0x38: {  	s10 =	sld [smem:$0x3FB7]  }
0x39: {  	_ = 	snop;
	(pc) =	sbr.ind lr, $3  }
0x3a: {  	_ = 	snop  }
0x3b: {  	_ = 	snop  }
0x3c: {  	p2 =	seq.s32 s10, $0x1;
	s10 =	sld [smem:$0x3FB6]  }
0x3d: {  	_ =	shalt  }
0x3e: {  	_ =	shalt  }
0x3f: {  	_ =	shalt  }
0x40: {  	_ =	shalt  }
0x41: {  	_ =	shalt  }
0x42: {  	_ =	shalt  }
0x43: {  	_ =	shalt  }
0x44: {  	_ =	shalt  }
0x45: {  	_ =	shalt  }
0x46: {  	_ =	shalt  }
0x47: {  	_ =	shalt  }
0x48: {  	_ =	shalt  }
0x49: {  	_ =	shalt  }
0x4a: {  	_ =	shalt  }
0x4b: {  	_ =	shalt  }
0x4c: {  	_ =	shalt  }
0x4d: {  	_ =	shalt  }
0x4e: {  	_ =	shalt  }
0x4f: {  	_ =	shalt  }
0x50: {  	_ =	shalt  }
0x51: {  	_ =	shalt  }
0x52: {  	_ =	shalt  }
0x53: {  	_ =	shalt  }
0x54: {  	_ =	shalt  }
0x55: {  	_ =	shalt  }
0x56: {  	_ =	shalt  }
0x57: {  	_ =	shalt  }
0x58: {  	_ =	shalt  }
0x59: {  	_ =	shalt  }
0x5a: {  	_ =	shalt  }
0x5b: {  	_ =	shalt  }
0x5c: {  	_ =	shalt  }
0x5d: {  	_ =	shalt  }
0x5e: {  	_ =	shalt  }
0x5f: {  	_ =	shalt  }
0x60: {  	_ =	shalt  }
0x61: {  	_ =	shalt  }
0x62: {  	_ =	shalt  }
0x63: {  	_ =	shalt  }
0x64: {  	_ =	shalt  }
0x65: {  	_ =	shalt  }
0x66: {  	_ =	shalt  }
0x67: {  	_ =	shalt  }
0x68: {  	_ =	shalt  }
0x69: {  	_ =	shalt  }
0x6a: {  	_ =	shalt  }
0x6b: {  	_ =	shalt  }
0x6c: {  	_ =	shalt  }
0x6d: {  	_ =	shalt  }
0x6e: {  	_ =	shalt  }
0x6f: {  	_ =	shalt  }
0x70: {  	_ =	shalt  }
0x71: {  	_ =	shalt  }
0x72: {  	_ =	shalt  }
0x73: {  	_ =	shalt  }
0x74: {  	_ =	shalt  }
0x75: {  	_ =	shalt  }
0x76: {  	_ =	shalt  }
0x77: {  	_ =	shalt  }
0x78: {  	_ =	shalt  }
0x79: {  	_ =	shalt  }
0x7a: {  	_ =	shalt  }
0x7b: {  	_ =	shalt  }
0x7c: {  	_ =	shalt  }
0x7d: {  	_ =	shalt  }
0x7e: {  	_ =	shalt  }
0x7f: {  	_ =	shalt  }
0x80: {  	_ =	shalt  }
0x81: {  	_ =	shalt  }
0x82: {  	_ =	shalt  }
0x83: {  	_ =	shalt  }
0x84: {  	_ =	shalt  }
0x85: {  	_ =	shalt  }
0x86: {  	_ =	shalt  }
0x87: {  	_ =	shalt  }
.Lfunc_end0:
.L_simem_size_0:
called_computation_lowered:
.L_overlay_start_0:
0x88: {  	s2 =	sld [smem:$0x3FD9]  }
0x89: {  	s3 =	sld [smem:$0x3FFE];
	_ =	sdelay $0x1  }
0x8a: {  	s1 =	srdreg.scid  }
0x8b: {  	s0 =	sand.u32 $0x1, s1  }
0x8c: {  	s17 =	sshll.u32 s0, $0xA;
	s2 =	sadd.s32 s3, s2  }
0x8d: {  	s2 =	sadd.s32 s2, s17  }
0x8e: {  	[smem:$0x3FC2] =	sst s2  }
0x8f: {  	_ = 	snop  }
0x90: {  	s2 =	sld [smem:$0x3FD0];
	(tm) =	ssettm $0x1  }
0x91: {  	s18 =	sld [smem:$0x3FFB];
	_ =	sdelay $0x3  }
0x92: {  	_ =	strace s18  }
0x93: {  	s3 =	sld [smem:$0x3FFC];
	_ =	sdelay $0x3  }
0x94: {  	_ =	strace s3  }
0x95: {  	s3 =	sld [smem:$0x3FFD];
	_ =	sdelay $0x3  }
0x96: {  	_ =	strace s3  }
0x97: {  	_ =	strace $0x8FFFFFFF  }
0x98: {  	s19 =	sld [smem:$0x3FDB];
	_ =	sdelay $0x1  }
0x99: {  	s4 =	simm.s32 $_scs_section_size  }
0x9a: {  	s5 =	simm.s32 $_size__tile_overlayer_lowered;
	s6 =	simm.s32 $_tile_overlayer_lowered  }
0x9b: {  	s22 =	simm.s32 $0x1BFF;
	s21 =	sshll.u32 s6, $0x1;
	s3 =	sadd.s32 s4, s19  }
0x9c: {  	s7 =	simm.s32 $0x0;
	s20 =	sshll.u32 s5, $0x1;
	s5 =	sadd.s32 s21, s3  }
0x9d: {  	[timem:s7], [sflag:s22] =	dma.local [hbm:s5], s20  }
0x9e: {  	_ =	swait.ge [sflag:s22], s20  }
0x9f: {  	s4 =	ssub.s32 $0x0, s20;
	[sflag:s22] =	ssyncset.done $0x0  }
0xa0: {  	[sflag:s22] =	ssyncadd.s32 s4;
	_ =	sdelay $0x1  }
0xa1: {  	s23 =	simm.s32 $0x1B8B  }
0xa2: {  	_ =	swait.ge [sflag:s23], $0x1  }
0xa3: {  	[sflag:s23] =	ssyncset.done $0x0  }
0xa4: {  	s25 =	simm.s32 $0x1B8E;
	s24 =	sld [smem:$0x3FFE];
	[sflag:s23] =	ssyncadd.s32 $0xFFFFFFFF  }
0xa5: {  	s26 =	simm.s32 $execute0_lowered;
	[smem:$0x3FD2] =	sst s25  }
0xa6: {  	s5 =	sshll.u32 s26, $0x1;
	_ =	strace $0x80000046;
	[dreg:$0x1] =	wrdreg $0xFFFFFFFF  }
0xa7: {  	s28 =	simm.s32 $_size_execute0_lowered;
	s3 =	sadd.s32 s3, s5;
	[dreg:$0x0] =	wrdreg $0x0  }
0xa8: {  	s5 =	sshll.u32 s28, $0x1;
	[dreg:$0x2] =	wrdreg s3  }
0xa9: {  	[dreg:$0x3] =	wrdreg s5  }
0xaa: {  	[dreg:$0x4] =	wrdreg $0xC0  }
0xab: {  	_ =	task [dreg:s7], $0x5FFFF  }
0xac: {  	[dreg:$0x1] =	wrdreg $0xFFFFFFFF  }
0xad: {  	[dreg:$0x0] =	wrdreg $0x60  }
0xae: {  	[dreg:$0x2] =	wrdreg s24  }
0xaf: {  	[dreg:$0x3] =	wrdreg s2  }
0xb0: {  	[dreg:$0x4] =	wrdreg $0x1C000  }
0xb1: {  	[dreg:$0x5] =	wrdreg $0x9  }
0xb2: {  	_ =	task.clear_ibuf [dreg:s7], $0x6FFFF;
	_ =	strace $0x90000046  }
0xb3: {  	s29 =	simm.s32 $0x9;
	_ =	strace $0x80000048  }
0xb4: {  	_ =	swait.ge [sflag:s29], $0x1  }
0xb5: {  	[sflag:s29] =	ssyncadd.s32 $0xFFFFFFFF  }
0xb6: {  	_ =	strace $0x90000048  }
0xb7: {  	_ =	sfence  }
0xb8: {  	s30 =	sld [smem:$0x0];
	_ =	sdelay $0x2  }
0xb9: {  	s31 =	sshll.u32 s1, $0xD;
	s1 =	sshrl.u32 s1, $0x2  }
0xba: {  	s3 =	sand.u32 $0x4000, s31;
	s1 =	sadd.s32 s1, s30  }
0xbb: {  	s0 =	sor.u32 s3, s0;
	s1 =	sshll.u32 s1, $0x11  }
0xbc: {  	s0 =	sor.u32 s1, s0  }
0xbd: {  	s0 =	sadd.s32 $0x8F2B, s0  }
0xbe: {  	[sflag:s0] =	ssyncadd.remote.s32 $0x1  }
0xbf: {  	_ =	sfence.sel $0xFFFF  }
0xc0: {  	[dreg:$0x0] =	wrdreg $0xFFFFFFFF;
	(pc) =	sbr.abs _section_cstart, $3  }
0xc1: {  	[dreg:$0x1] =	wrdreg $0xFFFFFFFF  }
0xc2: {  	_ =	task.clear_ibuf [dreg:s7], $0x2FFFF;
	_ =	strace $0x9FFFFFFF  }
0xc3: {  	(tm) =	ssettm $0x7FFFFFFF  }
tec
execute0_lowered:
.L_overlay_start_1:
0x0: {  	(tag) =	ssettag $0x1  }
0x1: {  	s5 =	rddreg [dreg:$0x0]  }
0x2: {  	s8 =	rddreg [dreg:$0x1]  }
0x3: {  	s0 =	srdreg.scid;
	s2 =	rddreg [dreg:$0x2]  }
0x4: {  	s3 =	simm.s32 $0x0;
	s13 =	simm.s32 $0x80;
	s14 =	simm.s32 $0x0  }
0x5: {  	s4 =	sand.u32 $0x1, s0;
	s0 =	stileid.u32;
	[smem:$0x7FF] =	sst s3  }
0x6: {  	s1 =	sshll.u32 s4, $0x4;
	s7 =	smul.u32 $0x2800, s0;
	s9 =	ssub.s32 $0x2, s4  }
0x7: {  	s10 =	smul.u32 $0x28000, s4;
	s4 =	sadd.s32 $0x2200, s5;
	s31 =	sshll.u32 s0, $0x6  }
0x8: {  	s6 =	sor.u32 s0, s1;
	s1 =	rddreg [dreg:$0x3];
	_ =	strace $0x80000047  }
0x9: {  	s28 =	sshrl.u32 s9, $0x1;
	s6 =	smul.u32 $0x280, s6;
	s29 =	sadd.s32 s7, s10  }
0xa: {  	s9 =	ssub.s32 s9, s28;
	s30 =	sadd.s32 s7, s2;
	s12 =	sshrl.u32 s29, $0x3  }
0xb: {  	s9 =	smax.u32 s9, $0x1;
	s10 =	sshrl.u32 s30, $0x3;
	s11 =	sadd.s32 s6, s5  }
0xc: {  	s5 =	sadd.s32 $0x7400, s5;
	s6 =	sor.u32 $0x1C01, s31;
	s8 =	sadd.s32 s8, s12  }
0xd: {  	s12 =	simm.s32 $0x1400;
	s7 =	sadd.s32 $0x2400, s11;
	s11 =	simm.s32 $0x1  }
.LBB2_1:
0xe: {  	[spmem:s10], [sflag:s6] =	dma.local [hbm:s5], $0x500  }
0xf: {  	_ =	swait.ge [sflag:s11], $0x500  }
0x10: {  	[sflag:s11] =	ssyncset.done $0x0  }
0x11: {  	[sflag:s11] =	ssyncadd.s32 $0xFFFFFB00  }
0x12: {  	[tilespmem:s12], [sflag:$0x1] =	stream.linear.gather [hbm4b:s4+s3], $0x800, $0x38;
	[tilespmem:$0x4400] =	vst v63  }
0x13: {  	_ =	swait.ge [sflag:s11], $0x800  }
0x14: {  	[sflag:s11] =	ssyncset.done $0x0  }
0x15: {  	[sflag:s11] =	ssyncadd.s32 $0xFFFFF800  }
0x16: {  	[tilespmem:s3], [sflag:$0x1] =	stream.linear.gather [hbm4b:s7+s3], $0x1400, $0x38;
	[tilespmem:$0x4400] =	vst v63  }
0x17: {  	_ =	swait.ge [sflag:s11], $0x1400  }
0x18: {  	[sflag:s11] =	ssyncset.done $0x0  }
0x19: {  	[sflag:s11] =	ssyncadd.s32 $0xFFFFEC00  }
0x1a: {  	s15 =	simm.s32 $0x0;
	[bflag:$0x0] =	sbarrier.arrive $0xFFFF  }
0x1b: {  	[spmem:s2] =	stream.indirect.scatter.add.f32 [tilespmem:s12], [sflag:$0x1], $0x10, s15, s13, $0xb8;
	[tilespmem:$0x4400] =	vst v63  }
0x1c: {  	_ =	swait.ge [sflag:s11], $0x800  }
0x1d: {  	s15 =	simm.s32 $0x200;
	[sflag:s11] =	ssyncset.done $0x0  }
.LBB2_2:
0x1e: {  	s16 =	sshra.s32 s15, $0x2;
	[sflag:s11] =	ssyncadd.s32 $0xFFFFF800;
	p0 =	sne.s32 s15, $0x4E00  }
0x1f: {  	[spmem:s2] =	stream.indirect.scatter.add.f32 [tilespmem:s12], [sflag:$0x1], $0x10, s16, s13, $0xb8;
	[tilespmem:$0x4400] =	vst v63  }
.Ltmp0:
0x20: {  	_ = 	snop;
	(pc) =	sbr.rel @p0 .LBB2_2-.Ltmp0, $4  }
0x21: {  	_ = 	snop  }
0x22: {  	s15 =	sadd.s32 $0x200, s15  }
0x23: {  	_ =	swait.ge [sflag:s11], $0x800  }
0x24: {  	[sflag:s11] =	ssyncset.done $0x0  }
0x25: {  	s14 =	sadd.s32 $0x1, s14  }
0x26: {  	[sflag:s11] =	ssyncadd.s32 $0xFFFFF800;
	p0 =	sne.s32 s14, s9  }
.Ltmp1:
0x27: {  	[bflag:$0x0] =	sbarrier.arrive $0xFFFF;
	(pc) =	sbr.rel @p0 .LBB2_1-.Ltmp1, $4  }
0x28: {  	[hbm:s8], [sflag:s6] =	dma.local [spmem:s10], $0x500  }
0x29: {  	_ =	swait.ge [sflag:s11], $0x500  }
0x2a: {  	[sflag:s11] =	ssyncset.done $0x0  }
0x2b: {  	[sflag:s11] =	ssyncadd.s32 $0xFFFFFB00  }
0x2c: {  	_ =	sfence.sel $0x180000  }
0x2d: {  	[bflag:$0x0] =	sbarrier.arrive $0xFFFF  }
0x2e: {  	p0 =	sne.s32 s0, $0x0;
	_ =	strace $0x90000047  }
0x2f: {  	s0 =	sadd.s32 @!p0 $0x100000, s1;
	[bflag:$0x2] =	sbarrier.arrive $0xFFFF  }
0x30: {  	[sflag:s0] =	ssyncadd.tile.s32 @!p0 $0x1;
	_ =	shalt  }
.Lfunc_end2:
_tile_overlayer_lowered:
.L_overlay_start_2:
0x31: {  	(tag) =	ssettag $0x2  }
0x32: {  	s0 =	rddreg [dreg:$0x0];
	s2 =	stileid.u32  }
0x33: {  	s1 =	rddreg [dreg:$0x1];
	p0 =	sne.s32 s2, $0x0  }
0x34: {  	s3 =	rddreg [dreg:$0x2];
	[bflag:$0x3] =	sbarrier.arrive $0xFFFF;
	s2 =	simm.s32 @!p0 $0x1C01  }
0x35: {  	[timem:s3], [sflag:s2] =	dma.local @!p0 [hbm:s0], s1  }
0x36: {  	s0 =	simm.s32 @!p0 $0x1  }
0x37: {  	_ =	swait.ge @!p0 [sflag:s0], s1  }
0x38: {  	s1 =	ssub.s32 @!p0 $0x0, s1;
	[sflag:s0] =	ssyncset.done @!p0 $0x0  }
0x39: {  	[sflag:s0] =	ssyncadd.s32 @!p0 s1  }
0x3a: {  	[bflag:$0x3] =	sbarrier.arrive $0xFFFF  }
0x3b: {  	_ =	shalt  }

</sc_bundles>
